<compile_context>
chip_gen: v7x
topology: tpu7x:2x2x1
jax: 0.10.2.dev20260603
libtpu: 0.0.44.dev20260713+nightly
codegen_flags: <defaults>
</compile_context>

<pallas_src>
import functools

import jax
import jax.numpy as jnp
from jax import lax
from jax.experimental import pallas as pl
from jax.experimental.pallas import tpu as pltpu
from jax.experimental.pallas import tpu_sc as plsc

D_MODEL = 1024
NUM_WORKERS = 32
CHUNK = 8
NBUF = 8
LEAD = 5


def _make_gather(batch):
    rows_per_worker = batch // NUM_WORKERS
    num_chunks = rows_per_worker // CHUNK
    num_groups = num_chunks // NBUF
    mesh = plsc.VectorSubcoreMesh(core_axis_name="c", subcore_axis_name="s")

    @functools.partial(
        pl.kernel,
        mesh=mesh,
        out_type=jax.ShapeDtypeStruct((batch, D_MODEL), jnp.float32),
        scratch_types=[
            pltpu.VMEM((rows_per_worker,), jnp.int32),
        ]
        + [pltpu.VMEM((CHUNK, D_MODEL), jnp.float32) for _ in range(NBUF)]
        + [pltpu.SemaphoreType.DMA for _ in range(2 * NBUF)],
    )
    def gather_kernel(table_hbm, idx_hbm, out_hbm, idx_v, *rest):
        bufs = rest[:NBUF]
        gsems = rest[NBUF:2 * NBUF]
        ssems = rest[2 * NBUF:]
        lead = LEAD
        wid = lax.axis_index("s") * 2 + lax.axis_index("c")
        base = wid * rows_per_worker
        pltpu.sync_copy(idx_hbm.at[pl.ds(base, rows_per_worker)], idx_v)

        for b in range(lead):
            pltpu.async_copy(
                table_hbm.at[idx_v.at[pl.ds(b * CHUNK, CHUNK)]], bufs[b], gsems[b]
            )

        def group(g, carry):
            goff = g * (NBUF * CHUNK)
            for b in range(NBUF):
                i_off = goff + b * CHUNK
                pltpu.make_async_copy(
                    table_hbm.at[idx_v.at[pl.ds(i_off, CHUNK)]], bufs[b], gsems[b]
                ).wait()
                pltpu.async_copy(
                    bufs[b], out_hbm.at[pl.ds(base + i_off, CHUNK)], ssems[b]
                )

                prev_off = i_off + (lead - NBUF) * CHUNK

                @pl.when(prev_off >= 0)
                def _():
                    pltpu.make_async_copy(
                        bufs[(b + lead) % NBUF],
                        out_hbm.at[pl.ds(base + prev_off, CHUNK)],
                        ssems[(b + lead) % NBUF],
                    ).wait()

                nxt_off = i_off + lead * CHUNK

                @pl.when(nxt_off < rows_per_worker)
                def _():
                    pltpu.async_copy(
                        table_hbm.at[idx_v.at[pl.ds(nxt_off, CHUNK)]],
                        bufs[(b + lead) % NBUF],
                        gsems[(b + lead) % NBUF],
                    )

            return carry

        lax.fori_loop(0, num_groups, group, 0)

        tail = NBUF - lead
        last = rows_per_worker - tail * CHUNK
        for b in range(tail):
            off = last + b * CHUNK
            pltpu.make_async_copy(
                bufs[(num_chunks - tail + b) % NBUF],
                out_hbm.at[pl.ds(base + off, CHUNK)],
                ssems[(num_chunks - tail + b) % NBUF],
            ).wait()

    return gather_kernel


def kernel(positions, pe):
    b, s = positions.shape
    n = b * s
    flat = positions.reshape(n)
    out = _make_gather(n)(pe, flat)
    return out.reshape(b, s, pe.shape[1])

# --- scband reference (transcript-rebuilt; emitter-appended) ---
"""Pipeline reference for scband-positional-encoding-61125974556678 (READ-ONLY COPY).

The authoritative reference and input builder live on the scoring server;
editing this copy changes nothing except your own understanding.
"""

import math
import jax, jax.numpy as jnp
import numpy as np

D_MODEL = 1024
TAU = 10000.0
MAX_LEN = 8192


def _build_pe():
    pe = np.zeros((MAX_LEN + 1, D_MODEL), dtype=np.float32)
    position = np.arange(0, MAX_LEN, dtype=np.float32)[:, None]
    div_term = np.exp(np.arange(0, D_MODEL, 2, dtype=np.float32) * (-math.log(TAU) / D_MODEL))
    pe[1:, 0::2] = np.sin(position * div_term)
    pe[1:, 1::2] = np.cos(position * div_term)
    return jnp.asarray(pe)


def setup_inputs(seed: int = 0) -> dict:
    key = jax.random.key(seed)
    positions = jax.random.randint(key, (4, 8192), 0, MAX_LEN + 1, dtype=jnp.int32)
    pe = _build_pe()
    return {"positions": positions, "pe": pe}


def reference(positions, pe):
    # nn.Embedding lookup: out[b, s, :] = pe[positions[b, s], :]
    return jnp.take(pe, positions, axis=0)

if __name__ == "__main__":
    import jax
    _d = setup_inputs()
    print(jax.jit(kernel)(*tuple(_d.values())))

</pallas_src>

<mosaic_0001>
#map = affine_map<(d0, d1) -> (0, 0)>
#map1 = affine_map<(d0, d1) -> (0)>
module attributes {stable_mosaic.version = 14 : i64} {
  func.func @gather_kernel(%arg0: i32, %arg1: i32, %arg2: memref<8193x1024xf32, #tpu.memory_space<hbm>>, %arg3: memref<32768xi32, #tpu.memory_space<hbm>>, %arg4: memref<32768x1024xf32, #tpu.memory_space<hbm>>, %arg5: memref<1024xi32, #tpu.memory_space<vmem>>, %arg6: memref<8x1024xf32, #tpu.memory_space<vmem>>, %arg7: memref<8x1024xf32, #tpu.memory_space<vmem>>, %arg8: memref<8x1024xf32, #tpu.memory_space<vmem>>, %arg9: memref<8x1024xf32, #tpu.memory_space<vmem>>, %arg10: memref<8x1024xf32, #tpu.memory_space<vmem>>, %arg11: memref<8x1024xf32, #tpu.memory_space<vmem>>, %arg12: memref<8x1024xf32, #tpu.memory_space<vmem>>, %arg13: memref<8x1024xf32, #tpu.memory_space<vmem>>, %arg14: memref<!tpu.dma_semaphore, #tpu.memory_space<semaphore_mem>>, %arg15: memref<!tpu.dma_semaphore, #tpu.memory_space<semaphore_mem>>, %arg16: memref<!tpu.dma_semaphore, #tpu.memory_space<semaphore_mem>>, %arg17: memref<!tpu.dma_semaphore, #tpu.memory_space<semaphore_mem>>, %arg18: memref<!tpu.dma_semaphore, #tpu.memory_space<semaphore_mem>>, %arg19: memref<!tpu.dma_semaphore, #tpu.memory_space<semaphore_mem>>, %arg20: memref<!tpu.dma_semaphore, #tpu.memory_space<semaphore_mem>>, %arg21: memref<!tpu.dma_semaphore, #tpu.memory_space<semaphore_mem>>, %arg22: memref<!tpu.dma_semaphore, #tpu.memory_space<semaphore_mem>>, %arg23: memref<!tpu.dma_semaphore, #tpu.memory_space<semaphore_mem>>, %arg24: memref<!tpu.dma_semaphore, #tpu.memory_space<semaphore_mem>>, %arg25: memref<!tpu.dma_semaphore, #tpu.memory_space<semaphore_mem>>, %arg26: memref<!tpu.dma_semaphore, #tpu.memory_space<semaphore_mem>>, %arg27: memref<!tpu.dma_semaphore, #tpu.memory_space<semaphore_mem>>, %arg28: memref<!tpu.dma_semaphore, #tpu.memory_space<semaphore_mem>>, %arg29: memref<!tpu.dma_semaphore, #tpu.memory_space<semaphore_mem>>) attributes {dimension_semantics = [#tpu.dimension_semantics<core_parallel>, #tpu.dimension_semantics<subcore_parallel>], iteration_bounds = array<i64: 2, 16>, scalar_prefetch = 0 : i64, scratch_operands = 25 : i64, tpu.core_type = #tpu.core_type<sc_vector_subcore>, window_params = [{transform_indices = #map}, {transform_indices = #map1}, {transform_indices = #map}]} {
    %mul3A = arith.constant 2 : i32
    %mul3A_0 = arith.muli %arg1, %mul3A : i32
    %add3A = arith.addi %mul3A_0, %arg0 : i32
    %mul3A_1 = arith.constant 1024 : i32
    %mul3A_2 = arith.muli %add3A, %mul3A_1 : i32
    "tpu.region"() ({
      %run_scoped3A = tpu.sem_alloc : memref<!tpu.dma_semaphore, #tpu.memory_space<semaphore_mem>>
      %dma_start3A_49 = tpu.memref_slice %arg3[%mul3A_2] : memref<32768xi32, #tpu.memory_space<hbm>> -> memref<1024xi32, #tpu.memory_space<hbm>>
      %dma_start3A_50 = tpu.memref_slice %arg3[%mul3A_2] : memref<32768xi32, #tpu.memory_space<hbm>> -> memref<1024xi32, #tpu.memory_space<hbm>>
      tpu.enqueue_dma source(%dma_start3A_50 : memref<1024xi32, #tpu.memory_space<hbm>>) target(%arg5 : memref<1024xi32, #tpu.memory_space<vmem>>) target_semaphore(%run_scoped3A : memref<!tpu.dma_semaphore, #tpu.memory_space<semaphore_mem>>)
      %dma_wait3A_51 = tpu.memref_slice %arg3[%mul3A_2] : memref<32768xi32, #tpu.memory_space<hbm>> -> memref<1024xi32, #tpu.memory_space<hbm>>
      %dma_wait3A_52 = tpu.memref_slice %arg3[%mul3A_2] : memref<32768xi32, #tpu.memory_space<hbm>> -> memref<1024xi32, #tpu.memory_space<hbm>>
      tpu.wait_dma2 semaphore(%run_scoped3A : memref<!tpu.dma_semaphore, #tpu.memory_space<semaphore_mem>>) src(%dma_wait3A_52 : memref<1024xi32, #tpu.memory_space<hbm>>) dst(%arg5 : memref<1024xi32, #tpu.memory_space<vmem>>)
      tpu.yield
    }) : () -> ()
    %dma_start3A = arith.constant 0 : i32
    %dma_start3A_3 = tpu.memref_slice %arg5[%dma_start3A] : memref<1024xi32, #tpu.memory_space<vmem>> -> memref<8xi32, #tpu.memory_space<vmem>>
    %dma_start3A_4 = arith.constant 0 : i32
    %dma_start3A_5 = arith.constant 0 : i32
    %dma_start3A_6 = tpu.memref_slice %arg2[%dma_start3A_4, %dma_start3A_5] : memref<8193x1024xf32, #tpu.memory_space<hbm>> -> memref<8193x1024xf32, #tpu.memory_space<hbm>>
    tpu.enqueue_indirect_dma source(%dma_start3A_6 : memref<8193x1024xf32, #tpu.memory_space<hbm>>) target(%arg6 : memref<8x1024xf32, #tpu.memory_space<vmem>>) offsets(%dma_start3A_3 : memref<8xi32, #tpu.memory_space<vmem>>) semaphore(%arg14 : memref<!tpu.dma_semaphore, #tpu.memory_space<semaphore_mem>>)
    %dma_start3A_7 = arith.constant 8 : i32
    %dma_start3A_8 = tpu.memref_slice %arg5[%dma_start3A_7] : memref<1024xi32, #tpu.memory_space<vmem>> -> memref<8xi32, #tpu.memory_space<vmem>>
    %dma_start3A_9 = arith.constant 0 : i32
    %dma_start3A_10 = arith.constant 0 : i32
    %dma_start3A_11 = tpu.memref_slice %arg2[%dma_start3A_9, %dma_start3A_10] : memref<8193x1024xf32, #tpu.memory_space<hbm>> -> memref<8193x1024xf32, #tpu.memory_space<hbm>>
    tpu.enqueue_indirect_dma source(%dma_start3A_11 : memref<8193x1024xf32, #tpu.memory_space<hbm>>) target(%arg7 : memref<8x1024xf32, #tpu.memory_space<vmem>>) offsets(%dma_start3A_8 : memref<8xi32, #tpu.memory_space<vmem>>) semaphore(%arg15 : memref<!tpu.dma_semaphore, #tpu.memory_space<semaphore_mem>>)
    %dma_start3A_12 = arith.constant 16 : i32
    %dma_start3A_13 = tpu.memref_slice %arg5[%dma_start3A_12] : memref<1024xi32, #tpu.memory_space<vmem>> -> memref<8xi32, #tpu.memory_space<vmem>>
    %dma_start3A_14 = arith.constant 0 : i32
    %dma_start3A_15 = arith.constant 0 : i32
    %dma_start3A_16 = tpu.memref_slice %arg2[%dma_start3A_14, %dma_start3A_15] : memref<8193x1024xf32, #tpu.memory_space<hbm>> -> memref<8193x1024xf32, #tpu.memory_space<hbm>>
    tpu.enqueue_indirect_dma source(%dma_start3A_16 : memref<8193x1024xf32, #tpu.memory_space<hbm>>) target(%arg8 : memref<8x1024xf32, #tpu.memory_space<vmem>>) offsets(%dma_start3A_13 : memref<8xi32, #tpu.memory_space<vmem>>) semaphore(%arg16 : memref<!tpu.dma_semaphore, #tpu.memory_space<semaphore_mem>>)
    %dma_start3A_17 = arith.constant 24 : i32
    %dma_start3A_18 = tpu.memref_slice %arg5[%dma_start3A_17] : memref<1024xi32, #tpu.memory_space<vmem>> -> memref<8xi32, #tpu.memory_space<vmem>>
    %dma_start3A_19 = arith.constant 0 : i32
    %dma_start3A_20 = arith.constant 0 : i32
    %dma_start3A_21 = tpu.memref_slice %arg2[%dma_start3A_19, %dma_start3A_20] : memref<8193x1024xf32, #tpu.memory_space<hbm>> -> memref<8193x1024xf32, #tpu.memory_space<hbm>>
    tpu.enqueue_indirect_dma source(%dma_start3A_21 : memref<8193x1024xf32, #tpu.memory_space<hbm>>) target(%arg9 : memref<8x1024xf32, #tpu.memory_space<vmem>>) offsets(%dma_start3A_18 : memref<8xi32, #tpu.memory_space<vmem>>) semaphore(%arg17 : memref<!tpu.dma_semaphore, #tpu.memory_space<semaphore_mem>>)
    %dma_start3A_22 = arith.constant 32 : i32
    %dma_start3A_23 = tpu.memref_slice %arg5[%dma_start3A_22] : memref<1024xi32, #tpu.memory_space<vmem>> -> memref<8xi32, #tpu.memory_space<vmem>>
    %dma_start3A_24 = arith.constant 0 : i32
    %dma_start3A_25 = arith.constant 0 : i32
    %dma_start3A_26 = tpu.memref_slice %arg2[%dma_start3A_24, %dma_start3A_25] : memref<8193x1024xf32, #tpu.memory_space<hbm>> -> memref<8193x1024xf32, #tpu.memory_space<hbm>>
    tpu.enqueue_indirect_dma source(%dma_start3A_26 : memref<8193x1024xf32, #tpu.memory_space<hbm>>) target(%arg10 : memref<8x1024xf32, #tpu.memory_space<vmem>>) offsets(%dma_start3A_23 : memref<8xi32, #tpu.memory_space<vmem>>) semaphore(%arg18 : memref<!tpu.dma_semaphore, #tpu.memory_space<semaphore_mem>>)
    %scan3A = arith.constant 0 : i32
    %scan3A_27 = arith.constant 0 : i32
    %scan3A_28 = arith.constant 16 : i32
    %scan3A_29 = arith.addi %scan3A_27, %scan3A_28 : i32
    %scan3A_30 = arith.constant 1 : i32
    scf.for %scan3A_49 = %scan3A_27 to %scan3A_29 step %scan3A_30  : i32 {
      %mul3A_50 = arith.constant 64 : i32
      %mul3A_51 = arith.muli %scan3A_49, %mul3A_50 : i32
      %add3A_52 = arith.constant 0 : i32
      %add3A_53 = arith.addi %mul3A_51, %add3A_52 : i32
      %dma_wait3A_54 = tpu.memref_slice %arg5[%add3A_53] : memref<1024xi32, #tpu.memory_space<vmem>> -> memref<8xi32, #tpu.memory_space<vmem>>
      %dma_wait3A_55 = arith.constant 0 : i32
      %dma_wait3A_56 = arith.constant 0 : i32
      %dma_wait3A_57 = tpu.memref_slice %arg2[%dma_wait3A_55, %dma_wait3A_56] : memref<8193x1024xf32, #tpu.memory_space<hbm>> -> memref<8193x1024xf32, #tpu.memory_space<hbm>>
      tpu.wait_indirect_dma semaphore(%arg14 : memref<!tpu.dma_semaphore, #tpu.memory_space<semaphore_mem>>) src(%dma_wait3A_57 : memref<8193x1024xf32, #tpu.memory_space<hbm>>) dst(%arg6 : memref<8x1024xf32, #tpu.memory_space<vmem>>)
      %add3A_58 = arith.addi %mul3A_2, %add3A_53 : i32
      %dma_start3A_59 = arith.constant 0 : i32
      %dma_start3A_60 = tpu.memref_slice %arg4[%add3A_58, %dma_start3A_59] : memref<32768x1024xf32, #tpu.memory_space<hbm>> -> memref<8x1024xf32, #tpu.memory_space<hbm>>
      %dma_start3A_61 = arith.constant 0 : i32
      %dma_start3A_62 = tpu.memref_slice %arg4[%add3A_58, %dma_start3A_61] : memref<32768x1024xf32, #tpu.memory_space<hbm>> -> memref<8x1024xf32, #tpu.memory_space<hbm>>
      tpu.enqueue_dma source(%arg6 : memref<8x1024xf32, #tpu.memory_space<vmem>>) target(%dma_start3A_62 : memref<8x1024xf32, #tpu.memory_space<hbm>>) target_semaphore(%arg22 : memref<!tpu.dma_semaphore, #tpu.memory_space<semaphore_mem>>)
      %add3A_63 = arith.constant -24 : i32
      %add3A_64 = arith.addi %add3A_53, %add3A_63 : i32
      %ge3A = arith.constant 0 : i32
      %ge3A_65 = arith.cmpi sge, %add3A_64, %ge3A : i32
      %convert_element_type3A = arith.extui %ge3A_65 : i1 to i32
      %cond3A = arith.constant 0 : i32
      %cond3A_66 = arith.cmpi ne, %convert_element_type3A, %cond3A : i32
      scf.if %cond3A_66 {
        %add3A_248 = arith.addi %mul3A_2, %add3A_64 : i32
        %dma_wait3A_249 = arith.constant 0 : i32
        %dma_wait3A_250 = tpu.memref_slice %arg4[%add3A_248, %dma_wait3A_249] : memref<32768x1024xf32, #tpu.memory_space<hbm>> -> memref<8x1024xf32, #tpu.memory_space<hbm>>
        %dma_wait3A_251 = arith.constant 0 : i32
        %dma_wait3A_252 = tpu.memref_slice %arg4[%add3A_248, %dma_wait3A_251] : memref<32768x1024xf32, #tpu.memory_space<hbm>> -> memref<8x1024xf32, #tpu.memory_space<hbm>>
        tpu.wait_dma2 semaphore(%arg27 : memref<!tpu.dma_semaphore, #tpu.memory_space<semaphore_mem>>) src(%arg11 : memref<8x1024xf32, #tpu.memory_space<vmem>>) dst(%dma_wait3A_252 : memref<8x1024xf32, #tpu.memory_space<hbm>>)
      } else {
      }
      %add3A_67 = arith.constant 40 : i32
      %add3A_68 = arith.addi %add3A_53, %add3A_67 : i32
      %lt3A = arith.constant 1024 : i32
      %lt3A_69 = arith.cmpi slt, %add3A_68, %lt3A : i32
      %convert_element_type3A_70 = arith.extui %lt3A_69 : i1 to i32
      %cond3A_71 = arith.constant 0 : i32
      %cond3A_72 = arith.cmpi ne, %convert_element_type3A_70, %cond3A_71 : i32
      scf.if %cond3A_72 {
        %dma_start3A_248 = tpu.memref_slice %arg5[%add3A_68] : memref<1024xi32, #tpu.memory_space<vmem>> -> memref<8xi32, #tpu.memory_space<vmem>>
        %dma_start3A_249 = arith.constant 0 : i32
        %dma_start3A_250 = arith.constant 0 : i32
        %dma_start3A_251 = tpu.memref_slice %arg2[%dma_start3A_249, %dma_start3A_250] : memref<8193x1024xf32, #tpu.memory_space<hbm>> -> memref<8193x1024xf32, #tpu.memory_space<hbm>>
        tpu.enqueue_indirect_dma source(%dma_start3A_251 : memref<8193x1024xf32, #tpu.memory_space<hbm>>) target(%arg11 : memref<8x1024xf32, #tpu.memory_space<vmem>>) offsets(%dma_start3A_248 : memref<8xi32, #tpu.memory_space<vmem>>) semaphore(%arg19 : memref<!tpu.dma_semaphore, #tpu.memory_space<semaphore_mem>>)
      } else {
      }
      %add3A_73 = arith.constant 8 : i32
      %add3A_74 = arith.addi %mul3A_51, %add3A_73 : i32
      %dma_wait3A_75 = tpu.memref_slice %arg5[%add3A_74] : memref<1024xi32, #tpu.memory_space<vmem>> -> memref<8xi32, #tpu.memory_space<vmem>>
      %dma_wait3A_76 = arith.constant 0 : i32
      %dma_wait3A_77 = arith.constant 0 : i32
      %dma_wait3A_78 = tpu.memref_slice %arg2[%dma_wait3A_76, %dma_wait3A_77] : memref<8193x1024xf32, #tpu.memory_space<hbm>> -> memref<8193x1024xf32, #tpu.memory_space<hbm>>
      tpu.wait_indirect_dma semaphore(%arg15 : memref<!tpu.dma_semaphore, #tpu.memory_space<semaphore_mem>>) src(%dma_wait3A_78 : memref<8193x1024xf32, #tpu.memory_space<hbm>>) dst(%arg7 : memref<8x1024xf32, #tpu.memory_space<vmem>>)
      %add3A_79 = arith.addi %mul3A_2, %add3A_74 : i32
      %dma_start3A_80 = arith.constant 0 : i32
      %dma_start3A_81 = tpu.memref_slice %arg4[%add3A_79, %dma_start3A_80] : memref<32768x1024xf32, #tpu.memory_space<hbm>> -> memref<8x1024xf32, #tpu.memory_space<hbm>>
      %dma_start3A_82 = arith.constant 0 : i32
      %dma_start3A_83 = tpu.memref_slice %arg4[%add3A_79, %dma_start3A_82] : memref<32768x1024xf32, #tpu.memory_space<hbm>> -> memref<8x1024xf32, #tpu.memory_space<hbm>>
      tpu.enqueue_dma source(%arg7 : memref<8x1024xf32, #tpu.memory_space<vmem>>) target(%dma_start3A_83 : memref<8x1024xf32, #tpu.memory_space<hbm>>) target_semaphore(%arg23 : memref<!tpu.dma_semaphore, #tpu.memory_space<semaphore_mem>>)
      %add3A_84 = arith.constant -24 : i32
      %add3A_85 = arith.addi %add3A_74, %add3A_84 : i32
      %ge3A_86 = arith.constant 0 : i32
      %ge3A_87 = arith.cmpi sge, %add3A_85, %ge3A_86 : i32
      %convert_element_type3A_88 = arith.extui %ge3A_87 : i1 to i32
      %cond3A_89 = arith.constant 0 : i32
      %cond3A_90 = arith.cmpi ne, %convert_element_type3A_88, %cond3A_89 : i32
      scf.if %cond3A_90 {
        %add3A_248 = arith.addi %mul3A_2, %add3A_85 : i32
        %dma_wait3A_249 = arith.constant 0 : i32
        %dma_wait3A_250 = tpu.memref_slice %arg4[%add3A_248, %dma_wait3A_249] : memref<32768x1024xf32, #tpu.memory_space<hbm>> -> memref<8x1024xf32, #tpu.memory_space<hbm>>
        %dma_wait3A_251 = arith.constant 0 : i32
        %dma_wait3A_252 = tpu.memref_slice %arg4[%add3A_248, %dma_wait3A_251] : memref<32768x1024xf32, #tpu.memory_space<hbm>> -> memref<8x1024xf32, #tpu.memory_space<hbm>>
        tpu.wait_dma2 semaphore(%arg28 : memref<!tpu.dma_semaphore, #tpu.memory_space<semaphore_mem>>) src(%arg12 : memref<8x1024xf32, #tpu.memory_space<vmem>>) dst(%dma_wait3A_252 : memref<8x1024xf32, #tpu.memory_space<hbm>>)
      } else {
      }
      %add3A_91 = arith.constant 40 : i32
      %add3A_92 = arith.addi %add3A_74, %add3A_91 : i32
      %lt3A_93 = arith.constant 1024 : i32
      %lt3A_94 = arith.cmpi slt, %add3A_92, %lt3A_93 : i32
      %convert_element_type3A_95 = arith.extui %lt3A_94 : i1 to i32
      %cond3A_96 = arith.constant 0 : i32
      %cond3A_97 = arith.cmpi ne, %convert_element_type3A_95, %cond3A_96 : i32
      scf.if %cond3A_97 {
        %dma_start3A_248 = tpu.memref_slice %arg5[%add3A_92] : memref<1024xi32, #tpu.memory_space<vmem>> -> memref<8xi32, #tpu.memory_space<vmem>>
        %dma_start3A_249 = arith.constant 0 : i32
        %dma_start3A_250 = arith.constant 0 : i32
        %dma_start3A_251 = tpu.memref_slice %arg2[%dma_start3A_249, %dma_start3A_250] : memref<8193x1024xf32, #tpu.memory_space<hbm>> -> memref<8193x1024xf32, #tpu.memory_space<hbm>>
        tpu.enqueue_indirect_dma source(%dma_start3A_251 : memref<8193x1024xf32, #tpu.memory_space<hbm>>) target(%arg12 : memref<8x1024xf32, #tpu.memory_space<vmem>>) offsets(%dma_start3A_248 : memref<8xi32, #tpu.memory_space<vmem>>) semaphore(%arg20 : memref<!tpu.dma_semaphore, #tpu.memory_space<semaphore_mem>>)
      } else {
      }
      %add3A_98 = arith.constant 16 : i32
      %add3A_99 = arith.addi %mul3A_51, %add3A_98 : i32
      %dma_wait3A_100 = tpu.memref_slice %arg5[%add3A_99] : memref<1024xi32, #tpu.memory_space<vmem>> -> memref<8xi32, #tpu.memory_space<vmem>>
      %dma_wait3A_101 = arith.constant 0 : i32
      %dma_wait3A_102 = arith.constant 0 : i32
      %dma_wait3A_103 = tpu.memref_slice %arg2[%dma_wait3A_101, %dma_wait3A_102] : memref<8193x1024xf32, #tpu.memory_space<hbm>> -> memref<8193x1024xf32, #tpu.memory_space<hbm>>
      tpu.wait_indirect_dma semaphore(%arg16 : memref<!tpu.dma_semaphore, #tpu.memory_space<semaphore_mem>>) src(%dma_wait3A_103 : memref<8193x1024xf32, #tpu.memory_space<hbm>>) dst(%arg8 : memref<8x1024xf32, #tpu.memory_space<vmem>>)
      %add3A_104 = arith.addi %mul3A_2, %add3A_99 : i32
      %dma_start3A_105 = arith.constant 0 : i32
      %dma_start3A_106 = tpu.memref_slice %arg4[%add3A_104, %dma_start3A_105] : memref<32768x1024xf32, #tpu.memory_space<hbm>> -> memref<8x1024xf32, #tpu.memory_space<hbm>>
      %dma_start3A_107 = arith.constant 0 : i32
      %dma_start3A_108 = tpu.memref_slice %arg4[%add3A_104, %dma_start3A_107] : memref<32768x1024xf32, #tpu.memory_space<hbm>> -> memref<8x1024xf32, #tpu.memory_space<hbm>>
      tpu.enqueue_dma source(%arg8 : memref<8x1024xf32, #tpu.memory_space<vmem>>) target(%dma_start3A_108 : memref<8x1024xf32, #tpu.memory_space<hbm>>) target_semaphore(%arg24 : memref<!tpu.dma_semaphore, #tpu.memory_space<semaphore_mem>>)
      %add3A_109 = arith.constant -24 : i32
      %add3A_110 = arith.addi %add3A_99, %add3A_109 : i32
      %ge3A_111 = arith.constant 0 : i32
      %ge3A_112 = arith.cmpi sge, %add3A_110, %ge3A_111 : i32
      %convert_element_type3A_113 = arith.extui %ge3A_112 : i1 to i32
      %cond3A_114 = arith.constant 0 : i32
      %cond3A_115 = arith.cmpi ne, %convert_element_type3A_113, %cond3A_114 : i32
      scf.if %cond3A_115 {
        %add3A_248 = arith.addi %mul3A_2, %add3A_110 : i32
        %dma_wait3A_249 = arith.constant 0 : i32
        %dma_wait3A_250 = tpu.memref_slice %arg4[%add3A_248, %dma_wait3A_249] : memref<32768x1024xf32, #tpu.memory_space<hbm>> -> memref<8x1024xf32, #tpu.memory_space<hbm>>
        %dma_wait3A_251 = arith.constant 0 : i32
        %dma_wait3A_252 = tpu.memref_slice %arg4[%add3A_248, %dma_wait3A_251] : memref<32768x1024xf32, #tpu.memory_space<hbm>> -> memref<8x1024xf32, #tpu.memory_space<hbm>>
        tpu.wait_dma2 semaphore(%arg29 : memref<!tpu.dma_semaphore, #tpu.memory_space<semaphore_mem>>) src(%arg13 : memref<8x1024xf32, #tpu.memory_space<vmem>>) dst(%dma_wait3A_252 : memref<8x1024xf32, #tpu.memory_space<hbm>>)
      } else {
      }
      %add3A_116 = arith.constant 40 : i32
      %add3A_117 = arith.addi %add3A_99, %add3A_116 : i32
      %lt3A_118 = arith.constant 1024 : i32
      %lt3A_119 = arith.cmpi slt, %add3A_117, %lt3A_118 : i32
      %convert_element_type3A_120 = arith.extui %lt3A_119 : i1 to i32
      %cond3A_121 = arith.constant 0 : i32
      %cond3A_122 = arith.cmpi ne, %convert_element_type3A_120, %cond3A_121 : i32
      scf.if %cond3A_122 {
        %dma_start3A_248 = tpu.memref_slice %arg5[%add3A_117] : memref<1024xi32, #tpu.memory_space<vmem>> -> memref<8xi32, #tpu.memory_space<vmem>>
        %dma_start3A_249 = arith.constant 0 : i32
        %dma_start3A_250 = arith.constant 0 : i32
        %dma_start3A_251 = tpu.memref_slice %arg2[%dma_start3A_249, %dma_start3A_250] : memref<8193x1024xf32, #tpu.memory_space<hbm>> -> memref<8193x1024xf32, #tpu.memory_space<hbm>>
        tpu.enqueue_indirect_dma source(%dma_start3A_251 : memref<8193x1024xf32, #tpu.memory_space<hbm>>) target(%arg13 : memref<8x1024xf32, #tpu.memory_space<vmem>>) offsets(%dma_start3A_248 : memref<8xi32, #tpu.memory_space<vmem>>) semaphore(%arg21 : memref<!tpu.dma_semaphore, #tpu.memory_space<semaphore_mem>>)
      } else {
      }
      %add3A_123 = arith.constant 24 : i32
      %add3A_124 = arith.addi %mul3A_51, %add3A_123 : i32
      %dma_wait3A_125 = tpu.memref_slice %arg5[%add3A_124] : memref<1024xi32, #tpu.memory_space<vmem>> -> memref<8xi32, #tpu.memory_space<vmem>>
      %dma_wait3A_126 = arith.constant 0 : i32
      %dma_wait3A_127 = arith.constant 0 : i32
      %dma_wait3A_128 = tpu.memref_slice %arg2[%dma_wait3A_126, %dma_wait3A_127] : memref<8193x1024xf32, #tpu.memory_space<hbm>> -> memref<8193x1024xf32, #tpu.memory_space<hbm>>
      tpu.wait_indirect_dma semaphore(%arg17 : memref<!tpu.dma_semaphore, #tpu.memory_space<semaphore_mem>>) src(%dma_wait3A_128 : memref<8193x1024xf32, #tpu.memory_space<hbm>>) dst(%arg9 : memref<8x1024xf32, #tpu.memory_space<vmem>>)
      %add3A_129 = arith.addi %mul3A_2, %add3A_124 : i32
      %dma_start3A_130 = arith.constant 0 : i32
      %dma_start3A_131 = tpu.memref_slice %arg4[%add3A_129, %dma_start3A_130] : memref<32768x1024xf32, #tpu.memory_space<hbm>> -> memref<8x1024xf32, #tpu.memory_space<hbm>>
      %dma_start3A_132 = arith.constant 0 : i32
      %dma_start3A_133 = tpu.memref_slice %arg4[%add3A_129, %dma_start3A_132] : memref<32768x1024xf32, #tpu.memory_space<hbm>> -> memref<8x1024xf32, #tpu.memory_space<hbm>>
      tpu.enqueue_dma source(%arg9 : memref<8x1024xf32, #tpu.memory_space<vmem>>) target(%dma_start3A_133 : memref<8x1024xf32, #tpu.memory_space<hbm>>) target_semaphore(%arg25 : memref<!tpu.dma_semaphore, #tpu.memory_space<semaphore_mem>>)
      %add3A_134 = arith.constant -24 : i32
      %add3A_135 = arith.addi %add3A_124, %add3A_134 : i32
      %ge3A_136 = arith.constant 0 : i32
      %ge3A_137 = arith.cmpi sge, %add3A_135, %ge3A_136 : i32
      %convert_element_type3A_138 = arith.extui %ge3A_137 : i1 to i32
      %cond3A_139 = arith.constant 0 : i32
      %cond3A_140 = arith.cmpi ne, %convert_element_type3A_138, %cond3A_139 : i32
      scf.if %cond3A_140 {
        %add3A_248 = arith.addi %mul3A_2, %add3A_135 : i32
        %dma_wait3A_249 = arith.constant 0 : i32
        %dma_wait3A_250 = tpu.memref_slice %arg4[%add3A_248, %dma_wait3A_249] : memref<32768x1024xf32, #tpu.memory_space<hbm>> -> memref<8x1024xf32, #tpu.memory_space<hbm>>
        %dma_wait3A_251 = arith.constant 0 : i32
        %dma_wait3A_252 = tpu.memref_slice %arg4[%add3A_248, %dma_wait3A_251] : memref<32768x1024xf32, #tpu.memory_space<hbm>> -> memref<8x1024xf32, #tpu.memory_space<hbm>>
        tpu.wait_dma2 semaphore(%arg22 : memref<!tpu.dma_semaphore, #tpu.memory_space<semaphore_mem>>) src(%arg6 : memref<8x1024xf32, #tpu.memory_space<vmem>>) dst(%dma_wait3A_252 : memref<8x1024xf32, #tpu.memory_space<hbm>>)
      } else {
      }
      %add3A_141 = arith.constant 40 : i32
      %add3A_142 = arith.addi %add3A_124, %add3A_141 : i32
      %lt3A_143 = arith.constant 1024 : i32
      %lt3A_144 = arith.cmpi slt, %add3A_142, %lt3A_143 : i32
      %convert_element_type3A_145 = arith.extui %lt3A_144 : i1 to i32
      %cond3A_146 = arith.constant 0 : i32
      %cond3A_147 = arith.cmpi ne, %convert_element_type3A_145, %cond3A_146 : i32
      scf.if %cond3A_147 {
        %dma_start3A_248 = tpu.memref_slice %arg5[%add3A_142] : memref<1024xi32, #tpu.memory_space<vmem>> -> memref<8xi32, #tpu.memory_space<vmem>>
        %dma_start3A_249 = arith.constant 0 : i32
        %dma_start3A_250 = arith.constant 0 : i32
        %dma_start3A_251 = tpu.memref_slice %arg2[%dma_start3A_249, %dma_start3A_250] : memref<8193x1024xf32, #tpu.memory_space<hbm>> -> memref<8193x1024xf32, #tpu.memory_space<hbm>>
        tpu.enqueue_indirect_dma source(%dma_start3A_251 : memref<8193x1024xf32, #tpu.memory_space<hbm>>) target(%arg6 : memref<8x1024xf32, #tpu.memory_space<vmem>>) offsets(%dma_start3A_248 : memref<8xi32, #tpu.memory_space<vmem>>) semaphore(%arg14 : memref<!tpu.dma_semaphore, #tpu.memory_space<semaphore_mem>>)
      } else {
      }
      %add3A_148 = arith.constant 32 : i32
      %add3A_149 = arith.addi %mul3A_51, %add3A_148 : i32
      %dma_wait3A_150 = tpu.memref_slice %arg5[%add3A_149] : memref<1024xi32, #tpu.memory_space<vmem>> -> memref<8xi32, #tpu.memory_space<vmem>>
      %dma_wait3A_151 = arith.constant 0 : i32
      %dma_wait3A_152 = arith.constant 0 : i32
      %dma_wait3A_153 = tpu.memref_slice %arg2[%dma_wait3A_151, %dma_wait3A_152] : memref<8193x1024xf32, #tpu.memory_space<hbm>> -> memref<8193x1024xf32, #tpu.memory_space<hbm>>
      tpu.wait_indirect_dma semaphore(%arg18 : memref<!tpu.dma_semaphore, #tpu.memory_space<semaphore_mem>>) src(%dma_wait3A_153 : memref<8193x1024xf32, #tpu.memory_space<hbm>>) dst(%arg10 : memref<8x1024xf32, #tpu.memory_space<vmem>>)
      %add3A_154 = arith.addi %mul3A_2, %add3A_149 : i32
      %dma_start3A_155 = arith.constant 0 : i32
      %dma_start3A_156 = tpu.memref_slice %arg4[%add3A_154, %dma_start3A_155] : memref<32768x1024xf32, #tpu.memory_space<hbm>> -> memref<8x1024xf32, #tpu.memory_space<hbm>>
      %dma_start3A_157 = arith.constant 0 : i32
      %dma_start3A_158 = tpu.memref_slice %arg4[%add3A_154, %dma_start3A_157] : memref<32768x1024xf32, #tpu.memory_space<hbm>> -> memref<8x1024xf32, #tpu.memory_space<hbm>>
      tpu.enqueue_dma source(%arg10 : memref<8x1024xf32, #tpu.memory_space<vmem>>) target(%dma_start3A_158 : memref<8x1024xf32, #tpu.memory_space<hbm>>) target_semaphore(%arg26 : memref<!tpu.dma_semaphore, #tpu.memory_space<semaphore_mem>>)
      %add3A_159 = arith.constant -24 : i32
      %add3A_160 = arith.addi %add3A_149, %add3A_159 : i32
      %ge3A_161 = arith.constant 0 : i32
      %ge3A_162 = arith.cmpi sge, %add3A_160, %ge3A_161 : i32
      %convert_element_type3A_163 = arith.extui %ge3A_162 : i1 to i32
      %cond3A_164 = arith.constant 0 : i32
      %cond3A_165 = arith.cmpi ne, %convert_element_type3A_163, %cond3A_164 : i32
      scf.if %cond3A_165 {
        %add3A_248 = arith.addi %mul3A_2, %add3A_160 : i32
        %dma_wait3A_249 = arith.constant 0 : i32
        %dma_wait3A_250 = tpu.memref_slice %arg4[%add3A_248, %dma_wait3A_249] : memref<32768x1024xf32, #tpu.memory_space<hbm>> -> memref<8x1024xf32, #tpu.memory_space<hbm>>
        %dma_wait3A_251 = arith.constant 0 : i32
        %dma_wait3A_252 = tpu.memref_slice %arg4[%add3A_248, %dma_wait3A_251] : memref<32768x1024xf32, #tpu.memory_space<hbm>> -> memref<8x1024xf32, #tpu.memory_space<hbm>>
        tpu.wait_dma2 semaphore(%arg23 : memref<!tpu.dma_semaphore, #tpu.memory_space<semaphore_mem>>) src(%arg7 : memref<8x1024xf32, #tpu.memory_space<vmem>>) dst(%dma_wait3A_252 : memref<8x1024xf32, #tpu.memory_space<hbm>>)
      } else {
      }
      %add3A_166 = arith.constant 40 : i32
      %add3A_167 = arith.addi %add3A_149, %add3A_166 : i32
      %lt3A_168 = arith.constant 1024 : i32
      %lt3A_169 = arith.cmpi slt, %add3A_167, %lt3A_168 : i32
      %convert_element_type3A_170 = arith.extui %lt3A_169 : i1 to i32
      %cond3A_171 = arith.constant 0 : i32
      %cond3A_172 = arith.cmpi ne, %convert_element_type3A_170, %cond3A_171 : i32
      scf.if %cond3A_172 {
        %dma_start3A_248 = tpu.memref_slice %arg5[%add3A_167] : memref<1024xi32, #tpu.memory_space<vmem>> -> memref<8xi32, #tpu.memory_space<vmem>>
        %dma_start3A_249 = arith.constant 0 : i32
        %dma_start3A_250 = arith.constant 0 : i32
        %dma_start3A_251 = tpu.memref_slice %arg2[%dma_start3A_249, %dma_start3A_250] : memref<8193x1024xf32, #tpu.memory_space<hbm>> -> memref<8193x1024xf32, #tpu.memory_space<hbm>>
        tpu.enqueue_indirect_dma source(%dma_start3A_251 : memref<8193x1024xf32, #tpu.memory_space<hbm>>) target(%arg7 : memref<8x1024xf32, #tpu.memory_space<vmem>>) offsets(%dma_start3A_248 : memref<8xi32, #tpu.memory_space<vmem>>) semaphore(%arg15 : memref<!tpu.dma_semaphore, #tpu.memory_space<semaphore_mem>>)
      } else {
      }
      %add3A_173 = arith.constant 40 : i32
      %add3A_174 = arith.addi %mul3A_51, %add3A_173 : i32
      %dma_wait3A_175 = tpu.memref_slice %arg5[%add3A_174] : memref<1024xi32, #tpu.memory_space<vmem>> -> memref<8xi32, #tpu.memory_space<vmem>>
      %dma_wait3A_176 = arith.constant 0 : i32
      %dma_wait3A_177 = arith.constant 0 : i32
      %dma_wait3A_178 = tpu.memref_slice %arg2[%dma_wait3A_176, %dma_wait3A_177] : memref<8193x1024xf32, #tpu.memory_space<hbm>> -> memref<8193x1024xf32, #tpu.memory_space<hbm>>
      tpu.wait_indirect_dma semaphore(%arg19 : memref<!tpu.dma_semaphore, #tpu.memory_space<semaphore_mem>>) src(%dma_wait3A_178 : memref<8193x1024xf32, #tpu.memory_space<hbm>>) dst(%arg11 : memref<8x1024xf32, #tpu.memory_space<vmem>>)
      %add3A_179 = arith.addi %mul3A_2, %add3A_174 : i32
      %dma_start3A_180 = arith.constant 0 : i32
      %dma_start3A_181 = tpu.memref_slice %arg4[%add3A_179, %dma_start3A_180] : memref<32768x1024xf32, #tpu.memory_space<hbm>> -> memref<8x1024xf32, #tpu.memory_space<hbm>>
      %dma_start3A_182 = arith.constant 0 : i32
      %dma_start3A_183 = tpu.memref_slice %arg4[%add3A_179, %dma_start3A_182] : memref<32768x1024xf32, #tpu.memory_space<hbm>> -> memref<8x1024xf32, #tpu.memory_space<hbm>>
      tpu.enqueue_dma source(%arg11 : memref<8x1024xf32, #tpu.memory_space<vmem>>) target(%dma_start3A_183 : memref<8x1024xf32, #tpu.memory_space<hbm>>) target_semaphore(%arg27 : memref<!tpu.dma_semaphore, #tpu.memory_space<semaphore_mem>>)
      %add3A_184 = arith.constant -24 : i32
      %add3A_185 = arith.addi %add3A_174, %add3A_184 : i32
      %ge3A_186 = arith.constant 0 : i32
      %ge3A_187 = arith.cmpi sge, %add3A_185, %ge3A_186 : i32
      %convert_element_type3A_188 = arith.extui %ge3A_187 : i1 to i32
      %cond3A_189 = arith.constant 0 : i32
      %cond3A_190 = arith.cmpi ne, %convert_element_type3A_188, %cond3A_189 : i32
      scf.if %cond3A_190 {
        %add3A_248 = arith.addi %mul3A_2, %add3A_185 : i32
        %dma_wait3A_249 = arith.constant 0 : i32
        %dma_wait3A_250 = tpu.memref_slice %arg4[%add3A_248, %dma_wait3A_249] : memref<32768x1024xf32, #tpu.memory_space<hbm>> -> memref<8x1024xf32, #tpu.memory_space<hbm>>
        %dma_wait3A_251 = arith.constant 0 : i32
        %dma_wait3A_252 = tpu.memref_slice %arg4[%add3A_248, %dma_wait3A_251] : memref<32768x1024xf32, #tpu.memory_space<hbm>> -> memref<8x1024xf32, #tpu.memory_space<hbm>>
        tpu.wait_dma2 semaphore(%arg24 : memref<!tpu.dma_semaphore, #tpu.memory_space<semaphore_mem>>) src(%arg8 : memref<8x1024xf32, #tpu.memory_space<vmem>>) dst(%dma_wait3A_252 : memref<8x1024xf32, #tpu.memory_space<hbm>>)
      } else {
      }
      %add3A_191 = arith.constant 40 : i32
      %add3A_192 = arith.addi %add3A_174, %add3A_191 : i32
      %lt3A_193 = arith.constant 1024 : i32
      %lt3A_194 = arith.cmpi slt, %add3A_192, %lt3A_193 : i32
      %convert_element_type3A_195 = arith.extui %lt3A_194 : i1 to i32
      %cond3A_196 = arith.constant 0 : i32
      %cond3A_197 = arith.cmpi ne, %convert_element_type3A_195, %cond3A_196 : i32
      scf.if %cond3A_197 {
        %dma_start3A_248 = tpu.memref_slice %arg5[%add3A_192] : memref<1024xi32, #tpu.memory_space<vmem>> -> memref<8xi32, #tpu.memory_space<vmem>>
        %dma_start3A_249 = arith.constant 0 : i32
        %dma_start3A_250 = arith.constant 0 : i32
        %dma_start3A_251 = tpu.memref_slice %arg2[%dma_start3A_249, %dma_start3A_250] : memref<8193x1024xf32, #tpu.memory_space<hbm>> -> memref<8193x1024xf32, #tpu.memory_space<hbm>>
        tpu.enqueue_indirect_dma source(%dma_start3A_251 : memref<8193x1024xf32, #tpu.memory_space<hbm>>) target(%arg8 : memref<8x1024xf32, #tpu.memory_space<vmem>>) offsets(%dma_start3A_248 : memref<8xi32, #tpu.memory_space<vmem>>) semaphore(%arg16 : memref<!tpu.dma_semaphore, #tpu.memory_space<semaphore_mem>>)
      } else {
      }
      %add3A_198 = arith.constant 48 : i32
      %add3A_199 = arith.addi %mul3A_51, %add3A_198 : i32
      %dma_wait3A_200 = tpu.memref_slice %arg5[%add3A_199] : memref<1024xi32, #tpu.memory_space<vmem>> -> memref<8xi32, #tpu.memory_space<vmem>>
      %dma_wait3A_201 = arith.constant 0 : i32
      %dma_wait3A_202 = arith.constant 0 : i32
      %dma_wait3A_203 = tpu.memref_slice %arg2[%dma_wait3A_201, %dma_wait3A_202] : memref<8193x1024xf32, #tpu.memory_space<hbm>> -> memref<8193x1024xf32, #tpu.memory_space<hbm>>
      tpu.wait_indirect_dma semaphore(%arg20 : memref<!tpu.dma_semaphore, #tpu.memory_space<semaphore_mem>>) src(%dma_wait3A_203 : memref<8193x1024xf32, #tpu.memory_space<hbm>>) dst(%arg12 : memref<8x1024xf32, #tpu.memory_space<vmem>>)
      %add3A_204 = arith.addi %mul3A_2, %add3A_199 : i32
      %dma_start3A_205 = arith.constant 0 : i32
      %dma_start3A_206 = tpu.memref_slice %arg4[%add3A_204, %dma_start3A_205] : memref<32768x1024xf32, #tpu.memory_space<hbm>> -> memref<8x1024xf32, #tpu.memory_space<hbm>>
      %dma_start3A_207 = arith.constant 0 : i32
      %dma_start3A_208 = tpu.memref_slice %arg4[%add3A_204, %dma_start3A_207] : memref<32768x1024xf32, #tpu.memory_space<hbm>> -> memref<8x1024xf32, #tpu.memory_space<hbm>>
      tpu.enqueue_dma source(%arg12 : memref<8x1024xf32, #tpu.memory_space<vmem>>) target(%dma_start3A_208 : memref<8x1024xf32, #tpu.memory_space<hbm>>) target_semaphore(%arg28 : memref<!tpu.dma_semaphore, #tpu.memory_space<semaphore_mem>>)
      %add3A_209 = arith.constant -24 : i32
      %add3A_210 = arith.addi %add3A_199, %add3A_209 : i32
      %ge3A_211 = arith.constant 0 : i32
      %ge3A_212 = arith.cmpi sge, %add3A_210, %ge3A_211 : i32
      %convert_element_type3A_213 = arith.extui %ge3A_212 : i1 to i32
      %cond3A_214 = arith.constant 0 : i32
      %cond3A_215 = arith.cmpi ne, %convert_element_type3A_213, %cond3A_214 : i32
      scf.if %cond3A_215 {
        %add3A_248 = arith.addi %mul3A_2, %add3A_210 : i32
        %dma_wait3A_249 = arith.constant 0 : i32
        %dma_wait3A_250 = tpu.memref_slice %arg4[%add3A_248, %dma_wait3A_249] : memref<32768x1024xf32, #tpu.memory_space<hbm>> -> memref<8x1024xf32, #tpu.memory_space<hbm>>
        %dma_wait3A_251 = arith.constant 0 : i32
        %dma_wait3A_252 = tpu.memref_slice %arg4[%add3A_248, %dma_wait3A_251] : memref<32768x1024xf32, #tpu.memory_space<hbm>> -> memref<8x1024xf32, #tpu.memory_space<hbm>>
        tpu.wait_dma2 semaphore(%arg25 : memref<!tpu.dma_semaphore, #tpu.memory_space<semaphore_mem>>) src(%arg9 : memref<8x1024xf32, #tpu.memory_space<vmem>>) dst(%dma_wait3A_252 : memref<8x1024xf32, #tpu.memory_space<hbm>>)
      } else {
      }
      %add3A_216 = arith.constant 40 : i32
      %add3A_217 = arith.addi %add3A_199, %add3A_216 : i32
      %lt3A_218 = arith.constant 1024 : i32
      %lt3A_219 = arith.cmpi slt, %add3A_217, %lt3A_218 : i32
      %convert_element_type3A_220 = arith.extui %lt3A_219 : i1 to i32
      %cond3A_221 = arith.constant 0 : i32
      %cond3A_222 = arith.cmpi ne, %convert_element_type3A_220, %cond3A_221 : i32
      scf.if %cond3A_222 {
        %dma_start3A_248 = tpu.memref_slice %arg5[%add3A_217] : memref<1024xi32, #tpu.memory_space<vmem>> -> memref<8xi32, #tpu.memory_space<vmem>>
        %dma_start3A_249 = arith.constant 0 : i32
        %dma_start3A_250 = arith.constant 0 : i32
        %dma_start3A_251 = tpu.memref_slice %arg2[%dma_start3A_249, %dma_start3A_250] : memref<8193x1024xf32, #tpu.memory_space<hbm>> -> memref<8193x1024xf32, #tpu.memory_space<hbm>>
        tpu.enqueue_indirect_dma source(%dma_start3A_251 : memref<8193x1024xf32, #tpu.memory_space<hbm>>) target(%arg9 : memref<8x1024xf32, #tpu.memory_space<vmem>>) offsets(%dma_start3A_248 : memref<8xi32, #tpu.memory_space<vmem>>) semaphore(%arg17 : memref<!tpu.dma_semaphore, #tpu.memory_space<semaphore_mem>>)
      } else {
      }
      %add3A_223 = arith.constant 56 : i32
      %add3A_224 = arith.addi %mul3A_51, %add3A_223 : i32
      %dma_wait3A_225 = tpu.memref_slice %arg5[%add3A_224] : memref<1024xi32, #tpu.memory_space<vmem>> -> memref<8xi32, #tpu.memory_space<vmem>>
      %dma_wait3A_226 = arith.constant 0 : i32
      %dma_wait3A_227 = arith.constant 0 : i32
      %dma_wait3A_228 = tpu.memref_slice %arg2[%dma_wait3A_226, %dma_wait3A_227] : memref<8193x1024xf32, #tpu.memory_space<hbm>> -> memref<8193x1024xf32, #tpu.memory_space<hbm>>
      tpu.wait_indirect_dma semaphore(%arg21 : memref<!tpu.dma_semaphore, #tpu.memory_space<semaphore_mem>>) src(%dma_wait3A_228 : memref<8193x1024xf32, #tpu.memory_space<hbm>>) dst(%arg13 : memref<8x1024xf32, #tpu.memory_space<vmem>>)
      %add3A_229 = arith.addi %mul3A_2, %add3A_224 : i32
      %dma_start3A_230 = arith.constant 0 : i32
      %dma_start3A_231 = tpu.memref_slice %arg4[%add3A_229, %dma_start3A_230] : memref<32768x1024xf32, #tpu.memory_space<hbm>> -> memref<8x1024xf32, #tpu.memory_space<hbm>>
      %dma_start3A_232 = arith.constant 0 : i32
      %dma_start3A_233 = tpu.memref_slice %arg4[%add3A_229, %dma_start3A_232] : memref<32768x1024xf32, #tpu.memory_space<hbm>> -> memref<8x1024xf32, #tpu.memory_space<hbm>>
      tpu.enqueue_dma source(%arg13 : memref<8x1024xf32, #tpu.memory_space<vmem>>) target(%dma_start3A_233 : memref<8x1024xf32, #tpu.memory_space<hbm>>) target_semaphore(%arg29 : memref<!tpu.dma_semaphore, #tpu.memory_space<semaphore_mem>>)
      %add3A_234 = arith.constant -24 : i32
      %add3A_235 = arith.addi %add3A_224, %add3A_234 : i32
      %ge3A_236 = arith.constant 0 : i32
      %ge3A_237 = arith.cmpi sge, %add3A_235, %ge3A_236 : i32
      %convert_element_type3A_238 = arith.extui %ge3A_237 : i1 to i32
      %cond3A_239 = arith.constant 0 : i32
      %cond3A_240 = arith.cmpi ne, %convert_element_type3A_238, %cond3A_239 : i32
      scf.if %cond3A_240 {
        %add3A_248 = arith.addi %mul3A_2, %add3A_235 : i32
        %dma_wait3A_249 = arith.constant 0 : i32
        %dma_wait3A_250 = tpu.memref_slice %arg4[%add3A_248, %dma_wait3A_249] : memref<32768x1024xf32, #tpu.memory_space<hbm>> -> memref<8x1024xf32, #tpu.memory_space<hbm>>
        %dma_wait3A_251 = arith.constant 0 : i32
        %dma_wait3A_252 = tpu.memref_slice %arg4[%add3A_248, %dma_wait3A_251] : memref<32768x1024xf32, #tpu.memory_space<hbm>> -> memref<8x1024xf32, #tpu.memory_space<hbm>>
        tpu.wait_dma2 semaphore(%arg26 : memref<!tpu.dma_semaphore, #tpu.memory_space<semaphore_mem>>) src(%arg10 : memref<8x1024xf32, #tpu.memory_space<vmem>>) dst(%dma_wait3A_252 : memref<8x1024xf32, #tpu.memory_space<hbm>>)
      } else {
      }
      %add3A_241 = arith.constant 40 : i32
      %add3A_242 = arith.addi %add3A_224, %add3A_241 : i32
      %lt3A_243 = arith.constant 1024 : i32
      %lt3A_244 = arith.cmpi slt, %add3A_242, %lt3A_243 : i32
      %convert_element_type3A_245 = arith.extui %lt3A_244 : i1 to i32
      %cond3A_246 = arith.constant 0 : i32
      %cond3A_247 = arith.cmpi ne, %convert_element_type3A_245, %cond3A_246 : i32
      scf.if %cond3A_247 {
        %dma_start3A_248 = tpu.memref_slice %arg5[%add3A_242] : memref<1024xi32, #tpu.memory_space<vmem>> -> memref<8xi32, #tpu.memory_space<vmem>>
        %dma_start3A_249 = arith.constant 0 : i32
        %dma_start3A_250 = arith.constant 0 : i32
        %dma_start3A_251 = tpu.memref_slice %arg2[%dma_start3A_249, %dma_start3A_250] : memref<8193x1024xf32, #tpu.memory_space<hbm>> -> memref<8193x1024xf32, #tpu.memory_space<hbm>>
        tpu.enqueue_indirect_dma source(%dma_start3A_251 : memref<8193x1024xf32, #tpu.memory_space<hbm>>) target(%arg10 : memref<8x1024xf32, #tpu.memory_space<vmem>>) offsets(%dma_start3A_248 : memref<8xi32, #tpu.memory_space<vmem>>) semaphore(%arg18 : memref<!tpu.dma_semaphore, #tpu.memory_space<semaphore_mem>>)
      } else {
      }
    }
    %scan3A_31 = arith.constant 16 : i32
    %add3A_32 = arith.constant 1000 : i32
    %add3A_33 = arith.addi %mul3A_2, %add3A_32 : i32
    %dma_wait3A = arith.constant 0 : i32
    %dma_wait3A_34 = tpu.memref_slice %arg4[%add3A_33, %dma_wait3A] : memref<32768x1024xf32, #tpu.memory_space<hbm>> -> memref<8x1024xf32, #tpu.memory_space<hbm>>
    %dma_wait3A_35 = arith.constant 0 : i32
    %dma_wait3A_36 = tpu.memref_slice %arg4[%add3A_33, %dma_wait3A_35] : memref<32768x1024xf32, #tpu.memory_space<hbm>> -> memref<8x1024xf32, #tpu.memory_space<hbm>>
    tpu.wait_dma2 semaphore(%arg27 : memref<!tpu.dma_semaphore, #tpu.memory_space<semaphore_mem>>) src(%arg11 : memref<8x1024xf32, #tpu.memory_space<vmem>>) dst(%dma_wait3A_36 : memref<8x1024xf32, #tpu.memory_space<hbm>>)
    %add3A_37 = arith.constant 1008 : i32
    %add3A_38 = arith.addi %mul3A_2, %add3A_37 : i32
    %dma_wait3A_39 = arith.constant 0 : i32
    %dma_wait3A_40 = tpu.memref_slice %arg4[%add3A_38, %dma_wait3A_39] : memref<32768x1024xf32, #tpu.memory_space<hbm>> -> memref<8x1024xf32, #tpu.memory_space<hbm>>
    %dma_wait3A_41 = arith.constant 0 : i32
    %dma_wait3A_42 = tpu.memref_slice %arg4[%add3A_38, %dma_wait3A_41] : memref<32768x1024xf32, #tpu.memory_space<hbm>> -> memref<8x1024xf32, #tpu.memory_space<hbm>>
    tpu.wait_dma2 semaphore(%arg28 : memref<!tpu.dma_semaphore, #tpu.memory_space<semaphore_mem>>) src(%arg12 : memref<8x1024xf32, #tpu.memory_space<vmem>>) dst(%dma_wait3A_42 : memref<8x1024xf32, #tpu.memory_space<hbm>>)
    %add3A_43 = arith.constant 1016 : i32
    %add3A_44 = arith.addi %mul3A_2, %add3A_43 : i32
    %dma_wait3A_45 = arith.constant 0 : i32
    %dma_wait3A_46 = tpu.memref_slice %arg4[%add3A_44, %dma_wait3A_45] : memref<32768x1024xf32, #tpu.memory_space<hbm>> -> memref<8x1024xf32, #tpu.memory_space<hbm>>
    %dma_wait3A_47 = arith.constant 0 : i32
    %dma_wait3A_48 = tpu.memref_slice %arg4[%add3A_44, %dma_wait3A_47] : memref<32768x1024xf32, #tpu.memory_space<hbm>> -> memref<8x1024xf32, #tpu.memory_space<hbm>>
    tpu.wait_dma2 semaphore(%arg29 : memref<!tpu.dma_semaphore, #tpu.memory_space<semaphore_mem>>) src(%arg13 : memref<8x1024xf32, #tpu.memory_space<vmem>>) dst(%dma_wait3A_48 : memref<8x1024xf32, #tpu.memory_space<hbm>>)
    return
  }
}

</mosaic_0001>

<sc_bundles>
// kernel: kernel.3.cloned.1.call-start
scs
__scs_entry_jumppad:
0x0: {  	(pc) =	sbr.rel $0x88, $3  }
0x1: {  	(tag) =	ssettag $0x0;
	lr =	simm.s32 $0x1  }
0x2: {  	[smem:$0x3F9F] =	sst lr;
	_ =	strace $0xD0000000  }
0x3: {  	_ = 	snop  }
0x4: {  	_ = 	snop  }
0x5: {  	_ = 	snop  }
0x6: {  	_ = 	snop  }
0x7: {  	_ = 	snop  }
__scs_overlays_trampoline_lowered:
0x8: {  	[smem:$0x3FAE] =	sst s0  }
0x9: {  	[smem:$0x3FAF] =	sst s1  }
0xa: {  	[smem:$0x3FB0] =	sst s2  }
0xb: {  	[smem:$0x3FB1] =	sst s3  }
0xc: {  	[smem:$0x3FB2] =	sst s4  }
0xd: {  	[smem:$0x3FB3] =	sst s5  }
0xe: {  	[smem:$0x3FB4] =	sst s6  }
0xf: {  	[smem:$0x3FB5] =	sst s7  }
0x10: {  	[smem:$0x3FB6] =	sst s8  }
0x11: {  	[smem:$0x3FB7] =	sst s9;
	s0 =	simm.s32 @!p0 $0x0  }
0x12: {  	s1 =	sld [smem:$0x3F9D];
	s0 =	simm.s32 @p0 $0x1  }
0x13: {  	[smem:$0x3FB8] =	sst s0;
	s0 =	simm.s32 @!p1 $0x0  }
0x14: {  	s2 =	sld [smem:$0x3F9C];
	s0 =	simm.s32 @p1 $0x1  }
0x15: {  	[smem:$0x3FB9] =	sst s0;
	s0 =	simm.s32 @!p2 $0x0  }
0x16: {  	s3 =	sld [smem:$0x3FDB];
	s0 =	simm.s32 @p2 $0x1  }
0x17: {  	s4 =	simm.s32 $0x1BF5;
	[smem:$0x3FBB] =	sst s0  }
0x18: {  	s0 =	sld [smem:$0x3F9E];
	_ =	swait.ge [sflag:s4], $0x0  }
0x19: {  	s7 =	sld [smem:$0x3F9F]  }
0x1a: {  	s8 =	sadd.s32 $0xFFFFE003, lr  }
0x1b: {  	s9 =	sadd.s32 $0xFFFFFEF7, lr;
	s5 =	simm.s32 $0xFFFFFFFF;
	p2 =	slt.u32 s8, $0xFFFFF086  }
0x1c: {  	p1 =	slt.u32 s9, $0xF7A;
	s5 =	simm.s32 @!p2 $0x0  }
0x1d: {  	s5 =	simm.s32 @p1 $0x1;
	p0 =	seq.s32 s7, s2  }
0x1e: {  	s7 =	smul.u32 @!p0 $0xF7A, s2;
	p2 =	seq.s32 @!p0 s5, $0x0  }
0x1f: {  	s9 =	smul.u32 $0xF7A, s1;
	s8 =	simm.s32 @!p0 $0x1BF5;
	p2 =	por !p2, p0  }
0x20: {  	[sflag:s8] =	ssyncset.s32 @!p0 $0xFFFFF086;
	s6 =	sadd.s32 @!p0 s3, s7;
	s7 =	simm.s32 @!p0 $0x108  }
0x21: {  	s3 =	sadd.s32 s3, s9;
	s6 =	sadd.s32 @!p0 $0x88, s6;
	s7 =	simm.s32 @p2 $0x1082  }
0x22: {  	[simem:s7], [sflag:s8] =	dma.local @!p0 [hbm:s6], $0xF7A  }
0x23: {  	s9 =	sor.u32 $0xD0000000, s2;
	s6 =	simm.s32 $0x108;
	_ =	swait.ge @!p0 [sflag:s8], $0x0  }
0x24: {  	s3 =	sadd.s32 $0x88, s3;
	s6 =	simm.s32 @!p1 $0x1082;
	[sflag:s4] =	ssyncset.s32 $0xFFFFF086  }
0x25: {  	[simem:s6], [sflag:s4] =	dma.local [hbm:s3], $0xF7A  }
0x26: {  	[smem:$0x3F9F] =	sst s1;
	(tag) =	ssettag s2;
	_ =	strace s9  }
0x27: {  	s1 =	sld [smem:$0x3FAF]  }
0x28: {  	s2 =	sld [smem:$0x3FB0]  }
0x29: {  	s4 =	sld [smem:$0x3FB2]  }
0x2a: {  	p0 =	seq.s32 s5, $0x0;
	s5 =	sld [smem:$0x3FB3]  }
0x2b: {  	s6 =	sld [smem:$0x3FB4]  }
0x2c: {  	s7 =	sld [smem:$0x3FB5]  }
0x2d: {  	s3 =	simm.s32 $0x108;
	s8 =	sld [smem:$0x3FB6]  }
0x2e: {  	s3 =	simm.s32 @!p0 $0x1082;
	s9 =	sld [smem:$0x3FB7]  }
0x2f: {  	lr =	sadd.s32 s0, s3;
	s0 =	sld [smem:$0x3FAE]  }
0x30: {  	s3 =	sld [smem:$0x3FB1]  }
0x31: {  	[smem:$0x3FBA] =	sst s10  }
0x32: {  	s10 =	sld [smem:$0x3FB8];
	_ =	sdelay $0x3  }
0x33: {  	p0 =	seq.s32 s10, $0x1;
	s10 =	sld [smem:$0x3FBA];
	_ =	sdelay $0x3  }
0x34: {  	[smem:$0x3FBA] =	sst s10  }
0x35: {  	s10 =	sld [smem:$0x3FB9];
	_ =	sdelay $0x3  }
0x36: {  	p1 =	seq.s32 s10, $0x1;
	s10 =	sld [smem:$0x3FBA];
	_ =	sdelay $0x3  }
0x37: {  	[smem:$0x3FBA] =	sst s10  }
0x38: {  	s10 =	sld [smem:$0x3FBB]  }
0x39: {  	_ = 	snop;
	(pc) =	sbr.ind lr, $3  }
0x3a: {  	_ = 	snop  }
0x3b: {  	_ = 	snop  }
0x3c: {  	p2 =	seq.s32 s10, $0x1;
	s10 =	sld [smem:$0x3FBA]  }
0x3d: {  	_ =	shalt  }
0x3e: {  	_ =	shalt  }
0x3f: {  	_ =	shalt  }
0x40: {  	_ =	shalt  }
0x41: {  	_ =	shalt  }
0x42: {  	_ =	shalt  }
0x43: {  	_ =	shalt  }
0x44: {  	_ =	shalt  }
0x45: {  	_ =	shalt  }
0x46: {  	_ =	shalt  }
0x47: {  	_ =	shalt  }
0x48: {  	_ =	shalt  }
0x49: {  	_ =	shalt  }
0x4a: {  	_ =	shalt  }
0x4b: {  	_ =	shalt  }
0x4c: {  	_ =	shalt  }
0x4d: {  	_ =	shalt  }
0x4e: {  	_ =	shalt  }
0x4f: {  	_ =	shalt  }
0x50: {  	_ =	shalt  }
0x51: {  	_ =	shalt  }
0x52: {  	_ =	shalt  }
0x53: {  	_ =	shalt  }
0x54: {  	_ =	shalt  }
0x55: {  	_ =	shalt  }
0x56: {  	_ =	shalt  }
0x57: {  	_ =	shalt  }
0x58: {  	_ =	shalt  }
0x59: {  	_ =	shalt  }
0x5a: {  	_ =	shalt  }
0x5b: {  	_ =	shalt  }
0x5c: {  	_ =	shalt  }
0x5d: {  	_ =	shalt  }
0x5e: {  	_ =	shalt  }
0x5f: {  	_ =	shalt  }
0x60: {  	_ =	shalt  }
0x61: {  	_ =	shalt  }
0x62: {  	_ =	shalt  }
0x63: {  	_ =	shalt  }
0x64: {  	_ =	shalt  }
0x65: {  	_ =	shalt  }
0x66: {  	_ =	shalt  }
0x67: {  	_ =	shalt  }
0x68: {  	_ =	shalt  }
0x69: {  	_ =	shalt  }
0x6a: {  	_ =	shalt  }
0x6b: {  	_ =	shalt  }
0x6c: {  	_ =	shalt  }
0x6d: {  	_ =	shalt  }
0x6e: {  	_ =	shalt  }
0x6f: {  	_ =	shalt  }
0x70: {  	_ =	shalt  }
0x71: {  	_ =	shalt  }
0x72: {  	_ =	shalt  }
0x73: {  	_ =	shalt  }
0x74: {  	_ =	shalt  }
0x75: {  	_ =	shalt  }
0x76: {  	_ =	shalt  }
0x77: {  	_ =	shalt  }
0x78: {  	_ =	shalt  }
0x79: {  	_ =	shalt  }
0x7a: {  	_ =	shalt  }
0x7b: {  	_ =	shalt  }
0x7c: {  	_ =	shalt  }
0x7d: {  	_ =	shalt  }
0x7e: {  	_ =	shalt  }
0x7f: {  	_ =	shalt  }
0x80: {  	_ =	shalt  }
0x81: {  	_ =	shalt  }
0x82: {  	_ =	shalt  }
0x83: {  	_ =	shalt  }
0x84: {  	_ =	shalt  }
0x85: {  	_ =	shalt  }
0x86: {  	_ =	shalt  }
0x87: {  	_ =	shalt  }
.Lfunc_end0:
.L_simem_size_0:
called_computation_lowered:
.L_overlay_start_0:
0x88: {  	s2 =	sld [smem:$0x3FD9]  }
0x89: {  	s3 =	sld [smem:$0x3FFE];
	_ =	sdelay $0x1  }
0x8a: {  	s1 =	srdreg.scid  }
0x8b: {  	s0 =	sand.u32 $0x1, s1  }
0x8c: {  	s17 =	sshll.u32 s0, $0xA;
	s2 =	sadd.s32 s3, s2  }
0x8d: {  	s2 =	sadd.s32 s2, s17  }
0x8e: {  	[smem:$0x3FC6] =	sst s2  }
0x8f: {  	_ = 	snop  }
0x90: {  	s2 =	sld [smem:$0x3FC8]  }
0x91: {  	s18 =	sld [smem:$0x3FD0];
	(tm) =	ssettm $0x1  }
0x92: {  	s4 =	sld [smem:$0x3FFB];
	_ =	sdelay $0x3  }
0x93: {  	_ =	strace s4  }
0x94: {  	s4 =	sld [smem:$0x3FFC];
	_ =	sdelay $0x3  }
0x95: {  	_ =	strace s4  }
0x96: {  	s4 =	sld [smem:$0x3FFD];
	_ =	sdelay $0x3  }
0x97: {  	_ =	strace s4  }
0x98: {  	_ =	strace $0x8FFFFFFF  }
0x99: {  	s19 =	sld [smem:$0x3FDB];
	_ =	sdelay $0x1  }
0x9a: {  	s5 =	simm.s32 $_scs_section_size  }
0x9b: {  	s6 =	simm.s32 $_size__tile_overlayer_lowered;
	s7 =	simm.s32 $_tile_overlayer_lowered  }
0x9c: {  	s22 =	simm.s32 $0x1BFF;
	s21 =	sshll.u32 s7, $0x1;
	s4 =	sadd.s32 s5, s19  }
0x9d: {  	s8 =	simm.s32 $0x0;
	s20 =	sshll.u32 s6, $0x1;
	s6 =	sadd.s32 s21, s4  }
0x9e: {  	[timem:s8], [sflag:s22] =	dma.local [hbm:s6], s20  }
0x9f: {  	_ =	swait.ge [sflag:s22], s20  }
0xa0: {  	s5 =	ssub.s32 $0x0, s20;
	[sflag:s22] =	ssyncset.done $0x0  }
0xa1: {  	[sflag:s22] =	ssyncadd.s32 s5;
	_ =	sdelay $0x1  }
0xa2: {  	s23 =	simm.s32 $0x1B8B  }
0xa3: {  	_ =	swait.ge [sflag:s23], $0x1  }
0xa4: {  	[sflag:s23] =	ssyncset.done $0x0  }
0xa5: {  	s25 =	simm.s32 $0x1B8E;
	s24 =	sld [smem:$0x3FFE];
	[sflag:s23] =	ssyncadd.s32 $0xFFFFFFFF  }
0xa6: {  	s26 =	simm.s32 $execute0_lowered;
	[smem:$0x3FD2] =	sst s25  }
0xa7: {  	s6 =	sshll.u32 s26, $0x1;
	_ =	strace $0x80000046;
	[dreg:$0x1] =	wrdreg $0xFFFFFFFF  }
0xa8: {  	s28 =	simm.s32 $_size_execute0_lowered;
	s4 =	sadd.s32 s4, s6;
	[dreg:$0x0] =	wrdreg $0x0  }
0xa9: {  	s6 =	sshll.u32 s28, $0x1;
	[dreg:$0x2] =	wrdreg s4  }
0xaa: {  	[dreg:$0x3] =	wrdreg s6  }
0xab: {  	[dreg:$0x4] =	wrdreg $0xC0  }
0xac: {  	_ =	task [dreg:s8], $0x5FFFF  }
0xad: {  	[dreg:$0x1] =	wrdreg $0xFFFFFFFF  }
0xae: {  	[dreg:$0x0] =	wrdreg $0x60  }
0xaf: {  	[dreg:$0x2] =	wrdreg s2  }
0xb0: {  	[dreg:$0x3] =	wrdreg s24  }
0xb1: {  	[dreg:$0x4] =	wrdreg s18  }
0xb2: {  	[dreg:$0x5] =	wrdreg $0x9  }
0xb3: {  	_ =	task.clear_ibuf [dreg:s8], $0x6FFFF;
	_ =	strace $0x90000046  }
0xb4: {  	s29 =	simm.s32 $0x9;
	_ =	strace $0x80000048  }
0xb5: {  	_ =	swait.ge [sflag:s29], $0x1  }
0xb6: {  	[sflag:s29] =	ssyncadd.s32 $0xFFFFFFFF  }
0xb7: {  	_ =	strace $0x90000048  }
0xb8: {  	_ =	sfence  }
0xb9: {  	s30 =	sld [smem:$0x0];
	_ =	sdelay $0x2  }
0xba: {  	s31 =	sshll.u32 s1, $0xD;
	s1 =	sshrl.u32 s1, $0x2  }
0xbb: {  	s3 =	sand.u32 $0x4000, s31;
	s1 =	sadd.s32 s1, s30  }
0xbc: {  	s0 =	sor.u32 s3, s0;
	s1 =	sshll.u32 s1, $0x11  }
0xbd: {  	s0 =	sor.u32 s1, s0  }
0xbe: {  	s0 =	sadd.s32 $0x8F2B, s0  }
0xbf: {  	[sflag:s0] =	ssyncadd.remote.s32 $0x1  }
0xc0: {  	_ =	sfence.sel $0xFFFF  }
0xc1: {  	[dreg:$0x0] =	wrdreg $0xFFFFFFFF;
	(pc) =	sbr.abs _section_cstart, $3  }
0xc2: {  	[dreg:$0x1] =	wrdreg $0xFFFFFFFF  }
0xc3: {  	_ =	task.clear_ibuf [dreg:s8], $0x2FFFF;
	_ =	strace $0x9FFFFFFF  }
0xc4: {  	(tm) =	ssettm $0x7FFFFFFF  }
0xc5: {  	_ =	shalt  }
tec
execute0_lowered:
.L_overlay_start_1:
0x0: {  	(tag) =	ssettag $0x1  }
0x1: {  	s1 =	rddreg [dreg:$0x0]  }
0x2: {  	s0 =	srdreg.scid;
	s2 =	rddreg [dreg:$0x1]  }
0x3: {  	s9 =	stileid.u32;
	s4 =	rddreg [dreg:$0x2]  }
0x4: {  	s3 =	simm.s32 $0x0;
	s28 =	simm.s32 $0x8400;
	s16 =	simm.s32 $0x2  }
0x5: {  	s17 =	simm.s32 $0xC400;
	s22 =	simm.s32 $0x3;
	s10 =	simm.s32 $0x9  }
0x6: {  	s11 =	simm.s32 $0x5;
	s15 =	simm.s32 $0xA;
	s29 =	simm.s32 $0x6  }
0x7: {  	s30 =	simm.s32 $0xB;
	s19 =	simm.s32 $0x7;
	s31 =	simm.s32 $0xC  }
0x8: {  	s23 =	simm.s32 $0x8;
	s12 =	simm.s32 $0xD;
	s18 =	simm.s32 $0x0  }
0x9: {  	s0 =	sand.u32 $0x1, s0;
	s5 =	sshll.u32 s9, $0xB;
	[smem:$0x7FF] =	sst s3  }
0xa: {  	s7 =	sadd.s32 $0x300, s1;
	s26 =	sshll.u32 s9, $0x12;
	s6 =	sshll.u32 s0, $0xA  }
0xb: {  	s24 =	ssub.s32 $0x2, s0;
	_ =	strace $0x80000047;
	s0 =	sshll.u32 s0, $0x11  }
0xc: {  	s5 =	sor.u32 s6, s5;
	s25 =	sshrl.u32 s24, $0x1;
	s6 =	sadd.s32 $0x200, s1  }
0xd: {  	s5 =	sshrl.u32 s5, $0x3;
	s8 =	ssub.s32 s24, s25;
	s24 =	simm.s32 $0xE400  }
.Ltmp0:
0xe: {  	s2 =	sadd.s32 s5, s2;
	s8 =	smax.u32 s8, $0x1;
	(pc) =	sbr.rel .LBB2_1-.Ltmp0, $4  }
0xf: {  	s25 =	simm.s32 $0xEC00;
	s2 =	sadd.s32 $0x400, s2;
	[dreg:$0x5] =	wrdreg s8  }
0x10: {  	v0 =	vlaneseq.u32;
	s5 =	sadd.s32 $0x100, s1;
	s8 =	simm.s32 $0x4;
	[dreg:$0x4] =	wrdreg s2  }
0x11: {  	v1 =	vshrl.u32 v0, $0x3;
	s2 =	sadd.s32 s26, s4;
	s26 =	simm.s32 $0xF400;
	s4 =	simm.s32 $0xFC00  }
0x12: {  	vm0 =	vmmov $0xffff;
	v0 =	vand.u32 $0x7, v0;
	v1 =	vmul.u32 $0x8, v1;
	s9 =	sadd.s32 s0, s2;
	s2 =	simm.s32 $0x1;
	s0 =	simm.s32 $0xA400  }
.LBB2_4:
0x13: {  	s13 =	simm.s32 $0xE  }
0x14: {  	_ =	swait.ge [sflag:s13], $0x2000  }
0x15: {  	[sflag:s13] =	ssyncset.done $0x0  }
0x16: {  	s20 =	simm.s32 $0xF;
	[sflag:s13] =	ssyncadd.s32 $0xFFFFE000  }
0x17: {  	_ =	swait.ge [sflag:s20], $0x2000  }
0x18: {  	[sflag:s20] =	ssyncset.done $0x0  }
0x19: {  	s14 =	simm.s32 $0x10;
	[sflag:s20] =	ssyncadd.s32 $0xFFFFE000  }
0x1a: {  	_ =	swait.ge [sflag:s14], $0x2000  }
0x1b: {  	s18 =	rddreg [dreg:$0x6]  }
0x1c: {  	s21 =	rddreg [dreg:$0x5];
	s18 =	sadd.s32 $0x1, s18  }
0x1d: {  	p0 =	sne.s32 s18, s21  }
.Ltmp1:
0x1e: {  	_ = 	snop;
	(pc) =	sbr.rel @!p0 .LBB2_5-.Ltmp1, $3  }
0x1f: {  	_ =	sdelay $0x1  }
0x20: {  	[sflag:s14] =	ssyncset.done $0x0  }
0x21: {  	[sflag:s14] =	ssyncadd.s32 $0xFFFFE000  }
.LBB2_1:
0x22: {  	[dreg:$0x6] =	wrdreg s18  }
0x23: {  	s13 =	rddreg [dreg:$0x4];
	s14 =	simm.s32 $0x11  }
0x24: {  	[tilespmem:s3], [sflag:$0x11] =	stream.linear.gather [hbm4b:s13+s3], $0x400, $0x38;
	[tilespmem:$0x10400] =	vst v63  }
0x25: {  	_ =	swait.ge [sflag:s14], $0x400  }
0x26: {  	[sflag:s14] =	ssyncset.done $0x0  }
0x27: {  	[sflag:s14] =	ssyncadd.s32 $0xFFFFFC00  }
0x28: {  	v2 =	vld.msk [tilespmem:$0x0], $0xff;
	_ =	sdelay $0x4  }
0x29: {  	v3 =	vshll.u32 v2, $0x3  }
0x2a: {  	v2 =	vand.u32 $0x7, v2;
	v3 =	vand.u32 $0xFFFFFFC0, v3  }
0x2b: {  	v2 =	vor.u32 v2, v3  }
0x2c: {  	v2 =	vperm.xlane v2, v0;
	_ =	sdelay $0x1  }
0x2d: {  	v2 =	vadd.s32 v1, v2;
	_ =	sdelay $0x3  }
0x2e: {  	s18 =	simm.s32 $0x400  }
0x2f: {  	[tilespmem:s18], [sflag:$0x1] =	stream.indirect_vreg.gather [hbm4b:s1+s3], $0x80, v2, vm0, $0xb8;
	[tilespmem:$0x10400] =	vst v63  }
0x30: {  	s20 =	simm.s32 $0xC00  }
0x31: {  	[tilespmem:s20], [sflag:$0x1] =	stream.indirect_vreg.gather [hbm4b:s5+s3], $0x80, v2, vm0, $0xb8;
	[tilespmem:$0x10400] =	vst v63  }
0x32: {  	s21 =	simm.s32 $0x1400  }
0x33: {  	[tilespmem:s21], [sflag:$0x1] =	stream.indirect_vreg.gather [hbm4b:s6+s3], $0x80, v2, vm0, $0xb8;
	[tilespmem:$0x10400] =	vst v63  }
0x34: {  	s14 =	simm.s32 $0x1C00  }
0x35: {  	[tilespmem:s14], [sflag:$0x1] =	stream.indirect_vreg.gather [hbm4b:s7+s3], $0x80, v2, vm0, $0xb8;
	[tilespmem:$0x10400] =	vst v63  }
0x36: {  	v2 =	vld.msk [tilespmem:$0x8], $0xff;
	_ =	sdelay $0x4  }
0x37: {  	v3 =	vshll.u32 v2, $0x3  }
0x38: {  	v2 =	vand.u32 $0x7, v2;
	v3 =	vand.u32 $0xFFFFFFC0, v3  }
0x39: {  	v2 =	vor.u32 v2, v3  }
0x3a: {  	v2 =	vperm.xlane v2, v0;
	_ =	sdelay $0x1  }
0x3b: {  	v2 =	vadd.s32 v1, v2;
	_ =	sdelay $0x3  }
0x3c: {  	s18 =	simm.s32 $0x2400  }
0x3d: {  	[tilespmem:s18], [sflag:$0x2] =	stream.indirect_vreg.gather [hbm4b:s1+s3], $0x80, v2, vm0, $0xb8;
	[tilespmem:$0x10400] =	vst v63  }
0x3e: {  	s20 =	simm.s32 $0x2C00  }
0x3f: {  	[tilespmem:s20], [sflag:$0x2] =	stream.indirect_vreg.gather [hbm4b:s5+s3], $0x80, v2, vm0, $0xb8;
	[tilespmem:$0x10400] =	vst v63  }
0x40: {  	s21 =	simm.s32 $0x3400  }
0x41: {  	[tilespmem:s21], [sflag:$0x2] =	stream.indirect_vreg.gather [hbm4b:s6+s3], $0x80, v2, vm0, $0xb8;
	[tilespmem:$0x10400] =	vst v63  }
0x42: {  	s14 =	simm.s32 $0x3C00  }
0x43: {  	[tilespmem:s14], [sflag:$0x2] =	stream.indirect_vreg.gather [hbm4b:s7+s3], $0x80, v2, vm0, $0xb8;
	[tilespmem:$0x10400] =	vst v63  }
0x44: {  	v2 =	vld.msk [tilespmem:$0x10], $0xff;
	_ =	sdelay $0x4  }
0x45: {  	v3 =	vshll.u32 v2, $0x3  }
0x46: {  	v2 =	vand.u32 $0x7, v2;
	v3 =	vand.u32 $0xFFFFFFC0, v3  }
0x47: {  	v2 =	vor.u32 v2, v3  }
0x48: {  	v2 =	vperm.xlane v2, v0;
	_ =	sdelay $0x1  }
0x49: {  	v2 =	vadd.s32 v1, v2;
	_ =	sdelay $0x3  }
0x4a: {  	s18 =	simm.s32 $0x4400  }
0x4b: {  	[tilespmem:s18], [sflag:$0x3] =	stream.indirect_vreg.gather [hbm4b:s1+s3], $0x80, v2, vm0, $0xb8;
	[tilespmem:$0x10400] =	vst v63  }
0x4c: {  	s20 =	simm.s32 $0x4C00  }
0x4d: {  	[tilespmem:s20], [sflag:$0x3] =	stream.indirect_vreg.gather [hbm4b:s5+s3], $0x80, v2, vm0, $0xb8;
	[tilespmem:$0x10400] =	vst v63  }
0x4e: {  	s21 =	simm.s32 $0x5400  }
0x4f: {  	[tilespmem:s21], [sflag:$0x3] =	stream.indirect_vreg.gather [hbm4b:s6+s3], $0x80, v2, vm0, $0xb8;
	[tilespmem:$0x10400] =	vst v63  }
0x50: {  	s14 =	simm.s32 $0x5C00  }
0x51: {  	[tilespmem:s14], [sflag:$0x3] =	stream.indirect_vreg.gather [hbm4b:s7+s3], $0x80, v2, vm0, $0xb8;
	[tilespmem:$0x10400] =	vst v63  }
0x52: {  	v2 =	vld.msk [tilespmem:$0x18], $0xff;
	_ =	sdelay $0x4  }
0x53: {  	v3 =	vshll.u32 v2, $0x3  }
0x54: {  	v2 =	vand.u32 $0x7, v2;
	v3 =	vand.u32 $0xFFFFFFC0, v3  }
0x55: {  	v2 =	vor.u32 v2, v3  }
0x56: {  	v2 =	vperm.xlane v2, v0;
	_ =	sdelay $0x1  }
0x57: {  	v2 =	vadd.s32 v1, v2;
	_ =	sdelay $0x3  }
0x58: {  	s18 =	simm.s32 $0x6400  }
0x59: {  	[tilespmem:s18], [sflag:$0x4] =	stream.indirect_vreg.gather [hbm4b:s1+s3], $0x80, v2, vm0, $0xb8;
	[tilespmem:$0x10400] =	vst v63  }
0x5a: {  	s20 =	simm.s32 $0x6C00  }
0x5b: {  	[tilespmem:s20], [sflag:$0x4] =	stream.indirect_vreg.gather [hbm4b:s5+s3], $0x80, v2, vm0, $0xb8;
	[tilespmem:$0x10400] =	vst v63  }
0x5c: {  	s21 =	simm.s32 $0x7400  }
0x5d: {  	[tilespmem:s21], [sflag:$0x4] =	stream.indirect_vreg.gather [hbm4b:s6+s3], $0x80, v2, vm0, $0xb8;
	[tilespmem:$0x10400] =	vst v63  }
0x5e: {  	s14 =	simm.s32 $0x7C00  }
0x5f: {  	[tilespmem:s14], [sflag:$0x4] =	stream.indirect_vreg.gather [hbm4b:s7+s3], $0x80, v2, vm0, $0xb8;
	[tilespmem:$0x10400] =	vst v63  }
0x60: {  	v2 =	vld.msk [tilespmem:$0x20], $0xff;
	_ =	sdelay $0x4  }
0x61: {  	v3 =	vshll.u32 v2, $0x3  }
0x62: {  	v2 =	vand.u32 $0x7, v2;
	v3 =	vand.u32 $0xFFFFFFC0, v3  }
0x63: {  	v2 =	vor.u32 v2, v3  }
0x64: {  	v2 =	vperm.xlane v2, v0;
	_ =	sdelay $0x1  }
0x65: {  	v2 =	vadd.s32 v1, v2;
	_ =	sdelay $0x4  }
0x66: {  	[tilespmem:s28], [sflag:$0x5] =	stream.indirect_vreg.gather [hbm4b:s1+s3], $0x80, v2, vm0, $0xb8;
	[tilespmem:$0x10400] =	vst v63  }
0x67: {  	s18 =	simm.s32 $0x8C00  }
0x68: {  	[tilespmem:s18], [sflag:$0x5] =	stream.indirect_vreg.gather [hbm4b:s5+s3], $0x80, v2, vm0, $0xb8;
	[tilespmem:$0x10400] =	vst v63  }
0x69: {  	s20 =	simm.s32 $0x9400  }
0x6a: {  	[tilespmem:s20], [sflag:$0x5] =	stream.indirect_vreg.gather [hbm4b:s6+s3], $0x80, v2, vm0, $0xb8;
	[tilespmem:$0x10400] =	vst v63  }
0x6b: {  	s13 =	simm.s32 $0x30;
	s21 =	simm.s32 $0x9C00;
	s14 =	simm.s32 $0x0  }
0x6c: {  	[tilespmem:s21], [sflag:$0x5] =	stream.indirect_vreg.gather [hbm4b:s7+s3], $0x80, v2, vm0, $0xb8;
	[tilespmem:$0x10400] =	vst v63  }
.LBB2_2:
0x6d: {  	_ =	swait.ge [sflag:s2], $0x2000  }
0x6e: {  	s18 =	sadd.s32 s14, s9;
	[sflag:s2] =	ssyncset.done $0x0  }
0x6f: {  	s20 =	simm.s32 $0x400;
	p0 =	seq.s32 s14, $0x0;
	[sflag:s2] =	ssyncadd.s32 $0xFFFFE000  }
0x70: {  	[hbm4b:s18+s3] =	stream.linear.scatter [tilespmem:s20], [sflag:$0x9], $0x2000, $0x38;
	[tilespmem:$0x10400] =	vst v63  }
0x71: {  	s20 =	simm.s32 @!p0 $0xE  }
0x72: {  	_ =	swait.ge @!p0 [sflag:s20], $0x2000  }
0x73: {  	[sflag:s20] =	ssyncset.done @!p0 $0x0  }
0x74: {  	[sflag:s20] =	ssyncadd.s32 @!p0 $0xFFFFE000  }
0x75: {  	v2 =	vld.msk [tilespmem:s13+$0xFFFFFFF8], $0xff;
	_ =	sdelay $0x4  }
0x76: {  	v3 =	vshll.u32 v2, $0x3  }
0x77: {  	v2 =	vand.u32 $0x7, v2;
	v3 =	vand.u32 $0xFFFFFFC0, v3  }
0x78: {  	v2 =	vor.u32 v2, v3  }
0x79: {  	v2 =	vperm.xlane v2, v0;
	_ =	sdelay $0x1  }
0x7a: {  	v2 =	vadd.s32 v1, v2;
	_ =	sdelay $0x4  }
0x7b: {  	[tilespmem:s0], [sflag:$0x6] =	stream.indirect_vreg.gather [hbm4b:s1+s3], $0x80, v2, vm0, $0xb8;
	[tilespmem:$0x10400] =	vst v63  }
0x7c: {  	s21 =	simm.s32 $0xAC00  }
0x7d: {  	[tilespmem:s21], [sflag:$0x6] =	stream.indirect_vreg.gather [hbm4b:s5+s3], $0x80, v2, vm0, $0xb8;
	[tilespmem:$0x10400] =	vst v63  }
0x7e: {  	s21 =	simm.s32 $0xB400  }
0x7f: {  	[tilespmem:s21], [sflag:$0x6] =	stream.indirect_vreg.gather [hbm4b:s6+s3], $0x80, v2, vm0, $0xb8;
	[tilespmem:$0x10400] =	vst v63  }
0x80: {  	s21 =	simm.s32 $0xBC00  }
0x81: {  	[tilespmem:s21], [sflag:$0x6] =	stream.indirect_vreg.gather [hbm4b:s7+s3], $0x80, v2, vm0, $0xb8;
	[tilespmem:$0x10400] =	vst v63  }
0x82: {  	_ =	swait.ge [sflag:s16], $0x2000  }
0x83: {  	[sflag:s16] =	ssyncset.done $0x0  }
0x84: {  	s20 =	sadd.s32 $0x400, s18;
	s21 =	simm.s32 $0x2400;
	[sflag:s16] =	ssyncadd.s32 $0xFFFFE000  }
0x85: {  	[hbm4b:s20+s3] =	stream.linear.scatter [tilespmem:s21], [sflag:$0xA], $0x2000, $0x38;
	[tilespmem:$0x10400] =	vst v63  }
0x86: {  	s20 =	simm.s32 @!p0 $0xF  }
0x87: {  	_ =	swait.ge @!p0 [sflag:s20], $0x2000  }
0x88: {  	[sflag:s20] =	ssyncset.done @!p0 $0x0  }
0x89: {  	[sflag:s20] =	ssyncadd.s32 @!p0 $0xFFFFE000  }
0x8a: {  	v2 =	vld.msk [tilespmem:s13+$0x0], $0xff;
	_ =	sdelay $0x4  }
0x8b: {  	v3 =	vshll.u32 v2, $0x3  }
0x8c: {  	v2 =	vand.u32 $0x7, v2;
	v3 =	vand.u32 $0xFFFFFFC0, v3  }
0x8d: {  	v2 =	vor.u32 v2, v3  }
0x8e: {  	v2 =	vperm.xlane v2, v0;
	_ =	sdelay $0x1  }
0x8f: {  	v2 =	vadd.s32 v1, v2;
	_ =	sdelay $0x4  }
0x90: {  	[tilespmem:s17], [sflag:$0x7] =	stream.indirect_vreg.gather [hbm4b:s1+s3], $0x80, v2, vm0, $0xb8;
	[tilespmem:$0x10400] =	vst v63  }
0x91: {  	s21 =	simm.s32 $0xCC00  }
0x92: {  	[tilespmem:s21], [sflag:$0x7] =	stream.indirect_vreg.gather [hbm4b:s5+s3], $0x80, v2, vm0, $0xb8;
	[tilespmem:$0x10400] =	vst v63  }
0x93: {  	s21 =	simm.s32 $0xD400  }
0x94: {  	[tilespmem:s21], [sflag:$0x7] =	stream.indirect_vreg.gather [hbm4b:s6+s3], $0x80, v2, vm0, $0xb8;
	[tilespmem:$0x10400] =	vst v63  }
0x95: {  	s21 =	simm.s32 $0xDC00  }
0x96: {  	[tilespmem:s21], [sflag:$0x7] =	stream.indirect_vreg.gather [hbm4b:s7+s3], $0x80, v2, vm0, $0xb8;
	[tilespmem:$0x10400] =	vst v63  }
0x97: {  	_ =	swait.ge [sflag:s22], $0x2000  }
0x98: {  	[sflag:s22] =	ssyncset.done $0x0  }
0x99: {  	s20 =	sadd.s32 $0x800, s18;
	s21 =	simm.s32 $0x4400;
	[sflag:s22] =	ssyncadd.s32 $0xFFFFE000  }
0x9a: {  	[hbm4b:s20+s3] =	stream.linear.scatter [tilespmem:s21], [sflag:$0xB], $0x2000, $0x38;
	[tilespmem:$0x10400] =	vst v63  }
0x9b: {  	s20 =	simm.s32 @!p0 $0x10  }
0x9c: {  	_ =	swait.ge @!p0 [sflag:s20], $0x2000  }
0x9d: {  	[sflag:s20] =	ssyncset.done @!p0 $0x0  }
0x9e: {  	[sflag:s20] =	ssyncadd.s32 @!p0 $0xFFFFE000  }
0x9f: {  	v2 =	vld.msk [tilespmem:s13+$0x8], $0xff;
	_ =	sdelay $0x4  }
0xa0: {  	v3 =	vshll.u32 v2, $0x3  }
0xa1: {  	v2 =	vand.u32 $0x7, v2;
	v3 =	vand.u32 $0xFFFFFFC0, v3  }
0xa2: {  	v2 =	vor.u32 v2, v3  }
0xa3: {  	v2 =	vperm.xlane v2, v0;
	_ =	sdelay $0x1  }
0xa4: {  	v2 =	vadd.s32 v1, v2;
	_ =	sdelay $0x4  }
0xa5: {  	[tilespmem:s24], [sflag:$0x8] =	stream.indirect_vreg.gather [hbm4b:s1+s3], $0x80, v2, vm0, $0xb8;
	[tilespmem:$0x10400] =	vst v63  }
0xa6: {  	_ = 	snop  }
0xa7: {  	[tilespmem:s25], [sflag:$0x8] =	stream.indirect_vreg.gather [hbm4b:s5+s3], $0x80, v2, vm0, $0xb8;
	[tilespmem:$0x10400] =	vst v63  }
0xa8: {  	_ = 	snop  }
0xa9: {  	[tilespmem:s26], [sflag:$0x8] =	stream.indirect_vreg.gather [hbm4b:s6+s3], $0x80, v2, vm0, $0xb8;
	[tilespmem:$0x10400] =	vst v63  }
0xaa: {  	_ = 	snop  }
0xab: {  	[tilespmem:s4], [sflag:$0x8] =	stream.indirect_vreg.gather [hbm4b:s7+s3], $0x80, v2, vm0, $0xb8;
	[tilespmem:$0x10400] =	vst v63  }
0xac: {  	_ =	swait.ge [sflag:s8], $0x2000  }
0xad: {  	[sflag:s8] =	ssyncset.done $0x0  }
0xae: {  	s21 =	simm.s32 $0x6400;
	s20 =	sadd.s32 $0xC00, s18;
	[sflag:s8] =	ssyncadd.s32 $0xFFFFE000  }
0xaf: {  	[hbm4b:s20+s3] =	stream.linear.scatter [tilespmem:s21], [sflag:$0xC], $0x2000, $0x38;
	[tilespmem:$0x10400] =	vst v63  }
0xb0: {  	_ =	swait.ge [sflag:s10], $0x2000  }
0xb1: {  	[sflag:s10] =	ssyncset.done $0x0  }
0xb2: {  	p0 =	seq.s32 s14, $0x1E000;
	[sflag:s10] =	ssyncadd.s32 $0xFFFFE000  }
0xb3: {  	v2 =	vld.msk @!p0 [tilespmem:s13+$0x10], $0xff;
	_ =	sdelay $0x4  }
0xb4: {  	v3 =	vshll.u32 @!p0 v2, $0x3  }
0xb5: {  	v4 =	vlaneseq.u32 @!p0;
	v2 =	vand.u32 @!p0 $0x7, v2;
	v3 =	vand.u32 @!p0 $0xFFFFFFC0, v3  }
0xb6: {  	v2 =	vor.u32 @!p0 v2, v3;
	v3 =	vand.u32 @!p0 $0x7, v4;
	v4 =	vshrl.u32 @!p0 v4, $0x3  }
0xb7: {  	v2 =	vperm.xlane @!p0 v2, v3;
	v4 =	vmul.u32 @!p0 $0x8, v4;
	_ =	sdelay $0x1  }
0xb8: {  	v2 =	vadd.s32 @!p0 v4, v2;
	_ =	sdelay $0x3  }
0xb9: {  	vm1 =	vmmov @!p0 $0xffff;
	s20 =	simm.s32 @!p0 $0x0;
	s21 =	simm.s32 @!p0 $0x400  }
0xba: {  	[tilespmem:s21], [sflag:$0x1] =	stream.indirect_vreg.gather @!p0 [hbm4b:s1+s20], $0x80, v2, vm1, $0xb8;
	[tilespmem:$0x10400] =	vst v63  }
0xbb: {  	s21 =	simm.s32 @!p0 $0xC00  }
0xbc: {  	[tilespmem:s21], [sflag:$0x1] =	stream.indirect_vreg.gather @!p0 [hbm4b:s5+s20], $0x80, v2, vm1, $0xb8;
	[tilespmem:$0x10400] =	vst v63  }
0xbd: {  	s21 =	simm.s32 @!p0 $0x1400  }
0xbe: {  	[tilespmem:s21], [sflag:$0x1] =	stream.indirect_vreg.gather @!p0 [hbm4b:s6+s20], $0x80, v2, vm1, $0xb8;
	[tilespmem:$0x10400] =	vst v63  }
0xbf: {  	s21 =	simm.s32 @!p0 $0x1C00  }
0xc0: {  	[tilespmem:s21], [sflag:$0x1] =	stream.indirect_vreg.gather @!p0 [hbm4b:s7+s20], $0x80, v2, vm1, $0xb8;
	[tilespmem:$0x10400] =	vst v63  }
0xc1: {  	_ =	swait.ge [sflag:s11], $0x2000  }
0xc2: {  	[sflag:s11] =	ssyncset.done $0x0  }
0xc3: {  	s21 =	sadd.s32 $0x1000, s18;
	[sflag:s11] =	ssyncadd.s32 $0xFFFFE000  }
0xc4: {  	[hbm4b:s21+s3] =	stream.linear.scatter [tilespmem:s28], [sflag:$0xD], $0x2000, $0x38;
	[tilespmem:$0x10400] =	vst v63  }
0xc5: {  	_ =	swait.ge [sflag:s15], $0x2000  }
0xc6: {  	[sflag:s15] =	ssyncset.done $0x0  }
0xc7: {  	[sflag:s15] =	ssyncadd.s32 $0xFFFFE000  }
0xc8: {  	v2 =	vld.msk @!p0 [tilespmem:s13+$0x18], $0xff;
	_ =	sdelay $0x4  }
0xc9: {  	v5 =	vshll.u32 @!p0 v2, $0x3  }
0xca: {  	v2 =	vand.u32 @!p0 $0x7, v2;
	v5 =	vand.u32 @!p0 $0xFFFFFFC0, v5  }
0xcb: {  	v2 =	vor.u32 @!p0 v2, v5  }
0xcc: {  	v2 =	vperm.xlane @!p0 v2, v3;
	_ =	sdelay $0x1  }
0xcd: {  	v2 =	vadd.s32 @!p0 v4, v2;
	_ =	sdelay $0x3  }
0xce: {  	s21 =	simm.s32 @!p0 $0x2400  }
0xcf: {  	[tilespmem:s21], [sflag:$0x2] =	stream.indirect_vreg.gather @!p0 [hbm4b:s1+s20], $0x80, v2, vm1, $0xb8;
	[tilespmem:$0x10400] =	vst v63  }
0xd0: {  	s21 =	simm.s32 @!p0 $0x2C00  }
0xd1: {  	[tilespmem:s21], [sflag:$0x2] =	stream.indirect_vreg.gather @!p0 [hbm4b:s5+s20], $0x80, v2, vm1, $0xb8;
	[tilespmem:$0x10400] =	vst v63  }
0xd2: {  	s21 =	simm.s32 @!p0 $0x3400  }
0xd3: {  	[tilespmem:s21], [sflag:$0x2] =	stream.indirect_vreg.gather @!p0 [hbm4b:s6+s20], $0x80, v2, vm1, $0xb8;
	[tilespmem:$0x10400] =	vst v63  }
0xd4: {  	s21 =	simm.s32 @!p0 $0x3C00  }
0xd5: {  	[tilespmem:s21], [sflag:$0x2] =	stream.indirect_vreg.gather @!p0 [hbm4b:s7+s20], $0x80, v2, vm1, $0xb8;
	[tilespmem:$0x10400] =	vst v63  }
0xd6: {  	_ =	swait.ge [sflag:s29], $0x2000  }
0xd7: {  	[sflag:s29] =	ssyncset.done $0x0  }
0xd8: {  	s21 =	sadd.s32 $0x1400, s18;
	[sflag:s29] =	ssyncadd.s32 $0xFFFFE000  }
0xd9: {  	[hbm4b:s21+s3] =	stream.linear.scatter [tilespmem:s0], [sflag:$0xE], $0x2000, $0x38;
	[tilespmem:$0x10400] =	vst v63  }
0xda: {  	_ =	swait.ge [sflag:s30], $0x2000  }
0xdb: {  	[sflag:s30] =	ssyncset.done $0x0  }
0xdc: {  	[sflag:s30] =	ssyncadd.s32 $0xFFFFE000  }
0xdd: {  	v2 =	vld.msk @!p0 [tilespmem:s13+$0x20], $0xff;
	_ =	sdelay $0x4  }
0xde: {  	v5 =	vshll.u32 @!p0 v2, $0x3  }
0xdf: {  	v2 =	vand.u32 @!p0 $0x7, v2;
	v5 =	vand.u32 @!p0 $0xFFFFFFC0, v5  }
0xe0: {  	v2 =	vor.u32 @!p0 v2, v5  }
0xe1: {  	v2 =	vperm.xlane @!p0 v2, v3;
	_ =	sdelay $0x1  }
0xe2: {  	v2 =	vadd.s32 @!p0 v4, v2;
	_ =	sdelay $0x3  }
0xe3: {  	s21 =	simm.s32 @!p0 $0x4400  }
0xe4: {  	[tilespmem:s21], [sflag:$0x3] =	stream.indirect_vreg.gather @!p0 [hbm4b:s1+s20], $0x80, v2, vm1, $0xb8;
	[tilespmem:$0x10400] =	vst v63  }
0xe5: {  	s21 =	simm.s32 @!p0 $0x4C00  }
0xe6: {  	[tilespmem:s21], [sflag:$0x3] =	stream.indirect_vreg.gather @!p0 [hbm4b:s5+s20], $0x80, v2, vm1, $0xb8;
	[tilespmem:$0x10400] =	vst v63  }
0xe7: {  	s21 =	simm.s32 @!p0 $0x5400  }
0xe8: {  	[tilespmem:s21], [sflag:$0x3] =	stream.indirect_vreg.gather @!p0 [hbm4b:s6+s20], $0x80, v2, vm1, $0xb8;
	[tilespmem:$0x10400] =	vst v63  }
0xe9: {  	s21 =	simm.s32 @!p0 $0x5C00  }
0xea: {  	[tilespmem:s21], [sflag:$0x3] =	stream.indirect_vreg.gather @!p0 [hbm4b:s7+s20], $0x80, v2, vm1, $0xb8;
	[tilespmem:$0x10400] =	vst v63  }
0xeb: {  	_ =	swait.ge [sflag:s19], $0x2000  }
0xec: {  	[sflag:s19] =	ssyncset.done $0x0  }
0xed: {  	s21 =	sadd.s32 $0x1800, s18;
	[sflag:s19] =	ssyncadd.s32 $0xFFFFE000  }
0xee: {  	[hbm4b:s21+s3] =	stream.linear.scatter [tilespmem:s17], [sflag:$0xF], $0x2000, $0x38;
	[tilespmem:$0x10400] =	vst v63  }
0xef: {  	_ =	swait.ge [sflag:s31], $0x2000  }
0xf0: {  	[sflag:s31] =	ssyncset.done $0x0  }
0xf1: {  	[sflag:s31] =	ssyncadd.s32 $0xFFFFE000  }
0xf2: {  	v2 =	vld.msk @!p0 [tilespmem:s13+$0x28], $0xff;
	_ =	sdelay $0x4  }
0xf3: {  	v5 =	vshll.u32 @!p0 v2, $0x3  }
0xf4: {  	v2 =	vand.u32 @!p0 $0x7, v2;
	v5 =	vand.u32 @!p0 $0xFFFFFFC0, v5  }
0xf5: {  	v2 =	vor.u32 @!p0 v2, v5  }
0xf6: {  	v2 =	vperm.xlane @!p0 v2, v3;
	_ =	sdelay $0x1  }
0xf7: {  	v2 =	vadd.s32 @!p0 v4, v2;
	_ =	sdelay $0x3  }
0xf8: {  	s21 =	simm.s32 @!p0 $0x6400  }
0xf9: {  	[tilespmem:s21], [sflag:$0x4] =	stream.indirect_vreg.gather @!p0 [hbm4b:s1+s20], $0x80, v2, vm1, $0xb8;
	[tilespmem:$0x10400] =	vst v63  }
0xfa: {  	s21 =	simm.s32 @!p0 $0x6C00  }
0xfb: {  	[tilespmem:s21], [sflag:$0x4] =	stream.indirect_vreg.gather @!p0 [hbm4b:s5+s20], $0x80, v2, vm1, $0xb8;
	[tilespmem:$0x10400] =	vst v63  }
0xfc: {  	s21 =	simm.s32 @!p0 $0x7400  }
0xfd: {  	[tilespmem:s21], [sflag:$0x4] =	stream.indirect_vreg.gather @!p0 [hbm4b:s6+s20], $0x80, v2, vm1, $0xb8;
	[tilespmem:$0x10400] =	vst v63  }
0xfe: {  	s21 =	simm.s32 @!p0 $0x7C00  }
0xff: {  	[tilespmem:s21], [sflag:$0x4] =	stream.indirect_vreg.gather @!p0 [hbm4b:s7+s20], $0x80, v2, vm1, $0xb8;
	[tilespmem:$0x10400] =	vst v63  }
0x100: {  	_ =	swait.ge [sflag:s23], $0x2000  }
0x101: {  	[sflag:s23] =	ssyncset.done $0x0  }
.Ltmp2:
0x102: {  	s18 =	sadd.s32 $0x1C00, s18;
	[sflag:s23] =	ssyncadd.s32 $0xFFFFE000;
	(pc) =	sbr.rel @p0 .LBB2_4-.Ltmp2, $4  }
0x103: {  	[hbm4b:s18+s3] =	stream.linear.scatter [tilespmem:s24], [sflag:$0x10], $0x2000, $0x38;
	[tilespmem:$0x10400] =	vst v63  }
0x104: {  	_ =	swait.ge [sflag:s12], $0x2000  }
0x105: {  	[sflag:s12] =	ssyncset.done $0x0  }
0x106: {  	[sflag:s12] =	ssyncadd.s32 $0xFFFFE000  }
0x107: {  	v2 =	vld.msk [tilespmem:s13+$0x30], $0xff;
	_ =	sdelay $0x4  }
0x108: {  	v3 =	vshll.u32 v2, $0x3  }
0x109: {  	v2 =	vand.u32 $0x7, v2;
	v3 =	vand.u32 $0xFFFFFFC0, v3  }
0x10a: {  	v2 =	vor.u32 v2, v3  }
0x10b: {  	v2 =	vperm.xlane v2, v0;
	_ =	sdelay $0x1  }
0x10c: {  	v2 =	vadd.s32 v1, v2;
	_ =	sdelay $0x4  }
0x10d: {  	[tilespmem:s28], [sflag:$0x5] =	stream.indirect_vreg.gather [hbm4b:s1+s3], $0x80, v2, vm0, $0xb8;
	[tilespmem:$0x10400] =	vst v63  }
0x10e: {  	s18 =	simm.s32 $0x8C00  }
0x10f: {  	[tilespmem:s18], [sflag:$0x5] =	stream.indirect_vreg.gather [hbm4b:s5+s3], $0x80, v2, vm0, $0xb8;
	[tilespmem:$0x10400] =	vst v63  }
.Ltmp3:
0x110: {  	_ = 	snop;
	(pc) =	sbr.rel .LBB2_2-.Ltmp3, $4  }
0x111: {  	s20 =	simm.s32 $0x9400  }
0x112: {  	[tilespmem:s20], [sflag:$0x5] =	stream.indirect_vreg.gather [hbm4b:s6+s3], $0x80, v2, vm0, $0xb8;
	[tilespmem:$0x10400] =	vst v63  }
0x113: {  	s21 =	simm.s32 $0x9C00;
	s14 =	sadd.s32 $0x2000, s14;
	s13 =	sadd.s32 $0x40, s13  }
0x114: {  	[tilespmem:s21], [sflag:$0x5] =	stream.indirect_vreg.gather [hbm4b:s7+s3], $0x80, v2, vm0, $0xb8;
	[tilespmem:$0x10400] =	vst v63  }
.LBB2_5:
0x115: {  	_ =	sfence.sel $0x180000  }
0x116: {  	[bflag:$0x0] =	sbarrier.arrive $0xFFFF  }
0x117: {  	_ =	strace $0x90000047  }
0x118: {  	s0 =	stileid.u32;
	[bflag:$0x2] =	sbarrier.arrive $0xFFFF  }
0x119: {  	p0 =	sne.s32 s0, $0x0;
	s0 =	rddreg [dreg:$0x3]  }
0x11a: {  	s0 =	sadd.s32 @!p0 $0x100000, s0  }
0x11b: {  	[sflag:s0] =	ssyncadd.tile.s32 @!p0 $0x1;
	_ =	shalt  }
.Lfunc_end2:
_tile_overlayer_lowered:
.L_overlay_start_2:
0x11c: {  	(tag) =	ssettag $0x2  }
0x11d: {  	s0 =	rddreg [dreg:$0x0];
	s2 =	stileid.u32  }
0x11e: {  	s1 =	rddreg [dreg:$0x1];
	p0 =	sne.s32 s2, $0x0  }
0x11f: {  	s3 =	rddreg [dreg:$0x2];
	[bflag:$0x3] =	sbarrier.arrive $0xFFFF;
	s2 =	simm.s32 @!p0 $0x1C11  }
0x120: {  	[timem:s3], [sflag:s2] =	dma.local @!p0 [hbm:s0], s1  }
0x121: {  	s0 =	simm.s32 @!p0 $0x11  }
0x122: {  	_ =	swait.ge @!p0 [sflag:s0], s1  }
0x123: {  	s1 =	ssub.s32 @!p0 $0x0, s1;
	[sflag:s0] =	ssyncset.done @!p0 $0x0  }
0x124: {  	[sflag:s0] =	ssyncadd.s32 @!p0 s1  }
0x125: {  	[bflag:$0x3] =	sbarrier.arrive $0xFFFF  }
0x126: {  	_ =	shalt  }

</sc_bundles>
